<compile_context>
chip_gen: v7x
topology: tpu7x:2x2x1
jax: 0.10.2.dev20260603
libtpu: 0.0.44.dev20260713+nightly
codegen_flags: <defaults>
</compile_context>

<pallas_src>
import functools

import jax
import jax.numpy as jnp
from jax import lax
from jax.experimental import pallas as pl
from jax.experimental.pallas import tpu as pltpu
from jax.experimental.pallas import tpu_sc as plsc

_NC = 2
_NS = 16
_NW = _NC * _NS

_CHUNK = 128
_NBUF = 2


def _gather_body(nchunk, table_hbm, idx_hbm, out_hbm, idx_v, rows_v, gsems, ssems):
    wid = lax.axis_index("s") * _NC + lax.axis_index("c")
    pltpu.sync_copy(idx_hbm.at[wid], idx_v)
    g0 = wid * nchunk

    def gather_start(c, b):
        pltpu.async_copy(table_hbm.at[idx_v.at[c]], rows_v.at[b], gsems.at[b])

    def gather_wait(c, b):
        pltpu.make_async_copy(
            table_hbm.at[idx_v.at[c]], rows_v.at[b], gsems.at[b]
        ).wait()

    def store_start(c, b):
        pltpu.async_copy(rows_v.at[b], out_hbm.at[g0 + c], ssems.at[b])

    def store_wait(c, b):
        pltpu.make_async_copy(rows_v.at[b], out_hbm.at[g0 + c], ssems.at[b]).wait()

    gather_start(0, 0)
    gather_start(1, 1)

    @pl.loop(0, nchunk - _NBUF, step=_NBUF)
    def _(c0):
        for j in range(_NBUF):
            c = c0 + j
            gather_wait(c, j)
            store_start(c, j)
            store_wait(c, j)
            gather_start(c + _NBUF, j)

    for j in range(_NBUF):
        c = nchunk - _NBUF + j
        gather_wait(c, j)
        store_start(c, j)
        store_wait(c, j)


@functools.partial(jax.jit, static_argnames=("nchunk",))
def _gather(table, idx, nchunk):
    d = table.shape[1]
    grid = _NW * nchunk
    mesh = plsc.VectorSubcoreMesh(
        core_axis_name="c", subcore_axis_name="s",
        num_cores=_NC, num_subcores=_NS,
    )
    body = functools.partial(_gather_body, nchunk)
    f = pl.kernel(
        body,
        out_type=jax.ShapeDtypeStruct((grid, _CHUNK, d), jnp.float32),
        mesh=mesh,
        scratch_types=[
            pltpu.VMEM((nchunk, _CHUNK), jnp.int32),
            pltpu.VMEM((_NBUF, _CHUNK, d), jnp.float32),
            pltpu.SemaphoreType.DMA((_NBUF,)),
            pltpu.SemaphoreType.DMA((_NBUF,)),
        ],
        compiler_params=pltpu.CompilerParams(use_tc_tiling_on_sc=False),
        name="sc_embedding_gather",
    )
    return f(table, idx)


def _pad_minor(table, dp):
    v, d = table.shape
    rows = 2000
    assert v % rows == 0

    def body(t_ref, o_ref):
        o_ref[:, :d] = t_ref[...]
        o_ref[:, d:] = jnp.zeros((rows, dp - d), jnp.float32)

    return pl.pallas_call(
        body,
        grid=(v // rows,),
        in_specs=[pl.BlockSpec((rows, d), lambda i: (i, 0))],
        out_specs=pl.BlockSpec((rows, dp), lambda i: (i, 0)),
        out_shape=jax.ShapeDtypeStruct((v, dp), jnp.float32),
    )(table)


def _depad_minor(out_p, d):
    return lax.slice_in_dim(out_p, 0, d, axis=2)


def kernel(x, table):
    batch, seq = x.shape
    n = batch * seq
    assert n % (_NW * _CHUNK) == 0
    nchunk = n // (_NW * _CHUNK)
    d = table.shape[1]
    dp = (d + 7) // 8 * 8
    table_p = _pad_minor(table, dp) if dp != d else table
    idx = x.reshape(_NW, nchunk, _CHUNK)
    out = _gather(table_p, idx, nchunk)
    out3 = out.reshape(batch, seq, dp)
    return _depad_minor(out3, d) if dp != d else out3

# --- scband reference (transcript-rebuilt; emitter-appended) ---
"""Pipeline reference for scband-word-embedding-9440338116885 (READ-ONLY COPY).

The authoritative reference and input builder live on the scoring server;
editing this copy changes nothing except your own understanding.
"""

import jax, jax.numpy as jnp
import numpy as np

VOCAB = 100000
EMBED_DIM = 300
BATCH = 4096
SEQ = 50


def setup_inputs(seed: int = 0) -> dict:
    key = jax.random.key(seed)
    k1, k2 = jax.random.split(key)
    x = jax.random.randint(k1, (BATCH, SEQ), 0, VOCAB, dtype=jnp.int32)
    # Embedding table: mimic GloVe-initialized vectors (first 4 rows are the
    # special-token vectors i*0.1, rest are pretrained-like random vectors).
    table = jax.random.normal(k2, (VOCAB, EMBED_DIM), dtype=jnp.float32) * 0.3
    special = jnp.arange(4, dtype=jnp.float32)[:, None] * 0.1 * jnp.ones((4, EMBED_DIM), dtype=jnp.float32)
    table = table.at[:4].set(special)
    return {"x": x, "table": table}


def reference(x, table):
    # WordEmbedding.forward: self.embedding(x) -> row gather from the table
    return jnp.take(table, x, axis=0)

if __name__ == "__main__":
    import jax
    _d = setup_inputs()
    print(jax.jit(kernel)(*tuple(_d.values())))

</pallas_src>

<mosaic_0001>
#map = affine_map<(d0, d1) -> (0, 0)>
#map1 = affine_map<(d0, d1) -> (0, 0, 0)>
module attributes {stable_mosaic.version = 14 : i64} {
  func.func @sc_embedding_gather(%arg0: i32, %arg1: i32, %arg2: memref<100000x304xf32, #tpu.memory_space<hbm>>, %arg3: memref<32x50x128xi32, #tpu.memory_space<hbm>>, %arg4: memref<1600x128x304xf32, #tpu.memory_space<hbm>>, %arg5: memref<50x128xi32, #tpu.memory_space<vmem>>, %arg6: memref<2x128x304xf32, #tpu.memory_space<vmem>>, %arg7: memref<2x!tpu.dma_semaphore, #tpu.memory_space<semaphore_mem>>, %arg8: memref<2x!tpu.dma_semaphore, #tpu.memory_space<semaphore_mem>>) attributes {dimension_semantics = [#tpu.dimension_semantics<core_parallel>, #tpu.dimension_semantics<subcore_parallel>], iteration_bounds = array<i64: 2, 16>, scalar_prefetch = 0 : i64, scratch_operands = 4 : i64, tpu.core_type = #tpu.core_type<sc_vector_subcore>, window_params = [{transform_indices = #map}, {transform_indices = #map1}, {transform_indices = #map1}]} {
    %mul3A = arith.constant 2 : i32
    %mul3A_0 = arith.muli %arg1, %mul3A : i32
    %add3A = arith.addi %mul3A_0, %arg0 : i32
    "tpu.region"() ({
      %run_scoped3A = tpu.sem_alloc : memref<!tpu.dma_semaphore, #tpu.memory_space<semaphore_mem>>
      %dma_start3A_153 = arith.constant 0 : i32
      %dma_start3A_154 = arith.constant 0 : i32
      %dma_start3A_155 = tpu.memref_slice %arg3[%add3A, %dma_start3A_153, %dma_start3A_154] : memref<32x50x128xi32, #tpu.memory_space<hbm>> -> memref<1x50x128xi32, #tpu.memory_space<hbm>>
      %dma_start3A_156 = tpu.memref_squeeze %dma_start3A_155 : memref<1x50x128xi32, #tpu.memory_space<hbm>> -> memref<50x128xi32, #tpu.memory_space<hbm>>
      %dma_start3A_157 = arith.constant 0 : i32
      %dma_start3A_158 = arith.constant 0 : i32
      %dma_start3A_159 = tpu.memref_slice %arg3[%add3A, %dma_start3A_157, %dma_start3A_158] : memref<32x50x128xi32, #tpu.memory_space<hbm>> -> memref<1x50x128xi32, #tpu.memory_space<hbm>>
      %dma_start3A_160 = tpu.memref_squeeze %dma_start3A_159 : memref<1x50x128xi32, #tpu.memory_space<hbm>> -> memref<50x128xi32, #tpu.memory_space<hbm>>
      tpu.enqueue_dma source(%dma_start3A_160 : memref<50x128xi32, #tpu.memory_space<hbm>>) target(%arg5 : memref<50x128xi32, #tpu.memory_space<vmem>>) target_semaphore(%run_scoped3A : memref<!tpu.dma_semaphore, #tpu.memory_space<semaphore_mem>>)
      %dma_wait3A_161 = arith.constant 0 : i32
      %dma_wait3A_162 = arith.constant 0 : i32
      %dma_wait3A_163 = tpu.memref_slice %arg3[%add3A, %dma_wait3A_161, %dma_wait3A_162] : memref<32x50x128xi32, #tpu.memory_space<hbm>> -> memref<1x50x128xi32, #tpu.memory_space<hbm>>
      %dma_wait3A_164 = tpu.memref_squeeze %dma_wait3A_163 : memref<1x50x128xi32, #tpu.memory_space<hbm>> -> memref<50x128xi32, #tpu.memory_space<hbm>>
      %dma_wait3A_165 = arith.constant 0 : i32
      %dma_wait3A_166 = arith.constant 0 : i32
      %dma_wait3A_167 = tpu.memref_slice %arg3[%add3A, %dma_wait3A_165, %dma_wait3A_166] : memref<32x50x128xi32, #tpu.memory_space<hbm>> -> memref<1x50x128xi32, #tpu.memory_space<hbm>>
      %dma_wait3A_168 = tpu.memref_squeeze %dma_wait3A_167 : memref<1x50x128xi32, #tpu.memory_space<hbm>> -> memref<50x128xi32, #tpu.memory_space<hbm>>
      tpu.wait_dma2 semaphore(%run_scoped3A : memref<!tpu.dma_semaphore, #tpu.memory_space<semaphore_mem>>) src(%dma_wait3A_168 : memref<50x128xi32, #tpu.memory_space<hbm>>) dst(%arg5 : memref<50x128xi32, #tpu.memory_space<vmem>>)
      tpu.yield
    }) : () -> ()
    %mul3A_1 = arith.constant 50 : i32
    %mul3A_2 = arith.muli %add3A, %mul3A_1 : i32
    %dma_start3A = arith.constant 0 : i32
    %dma_start3A_3 = arith.constant 0 : i32
    %dma_start3A_4 = arith.constant 0 : i32
    %dma_start3A_5 = arith.constant 0 : i32
    %dma_start3A_6 = arith.constant 0 : i32
    %dma_start3A_7 = tpu.memref_slice %arg6[%dma_start3A_3, %dma_start3A_5, %dma_start3A_6] : memref<2x128x304xf32, #tpu.memory_space<vmem>> -> memref<1x128x304xf32, #tpu.memory_space<vmem>>
    %dma_start3A_8 = tpu.memref_squeeze %dma_start3A_7 : memref<1x128x304xf32, #tpu.memory_space<vmem>> -> memref<128x304xf32, #tpu.memory_space<vmem>>
    %dma_start3A_9 = arith.constant 0 : i32
    %dma_start3A_10 = tpu.memref_slice %arg5[%dma_start3A, %dma_start3A_9] : memref<50x128xi32, #tpu.memory_space<vmem>> -> memref<1x128xi32, #tpu.memory_space<vmem>>
    %dma_start3A_11 = tpu.memref_squeeze %dma_start3A_10 : memref<1x128xi32, #tpu.memory_space<vmem>> -> memref<128xi32, #tpu.memory_space<vmem>>
    %dma_start3A_12 = arith.constant 0 : i32
    %dma_start3A_13 = arith.constant 0 : i32
    %dma_start3A_14 = tpu.memref_slice %arg2[%dma_start3A_12, %dma_start3A_13] : memref<100000x304xf32, #tpu.memory_space<hbm>> -> memref<100000x304xf32, #tpu.memory_space<hbm>>
    %dma_start3A_15 = tpu.memref_slice %arg7[%dma_start3A_4] : memref<2x!tpu.dma_semaphore, #tpu.memory_space<semaphore_mem>> -> memref<1x!tpu.dma_semaphore, #tpu.memory_space<semaphore_mem>>
    %dma_start3A_16 = tpu.memref_squeeze %dma_start3A_15 : memref<1x!tpu.dma_semaphore, #tpu.memory_space<semaphore_mem>> -> memref<!tpu.dma_semaphore, #tpu.memory_space<semaphore_mem>>
    tpu.enqueue_indirect_dma source(%dma_start3A_14 : memref<100000x304xf32, #tpu.memory_space<hbm>>) target(%dma_start3A_8 : memref<128x304xf32, #tpu.memory_space<vmem>>) offsets(%dma_start3A_11 : memref<128xi32, #tpu.memory_space<vmem>>) semaphore(%dma_start3A_16 : memref<!tpu.dma_semaphore, #tpu.memory_space<semaphore_mem>>)
    %dma_start3A_17 = arith.constant 1 : i32
    %dma_start3A_18 = arith.constant 1 : i32
    %dma_start3A_19 = arith.constant 1 : i32
    %dma_start3A_20 = arith.constant 0 : i32
    %dma_start3A_21 = arith.constant 0 : i32
    %dma_start3A_22 = tpu.memref_slice %arg6[%dma_start3A_18, %dma_start3A_20, %dma_start3A_21] : memref<2x128x304xf32, #tpu.memory_space<vmem>> -> memref<1x128x304xf32, #tpu.memory_space<vmem>>
    %dma_start3A_23 = tpu.memref_squeeze %dma_start3A_22 : memref<1x128x304xf32, #tpu.memory_space<vmem>> -> memref<128x304xf32, #tpu.memory_space<vmem>>
    %dma_start3A_24 = arith.constant 0 : i32
    %dma_start3A_25 = tpu.memref_slice %arg5[%dma_start3A_17, %dma_start3A_24] : memref<50x128xi32, #tpu.memory_space<vmem>> -> memref<1x128xi32, #tpu.memory_space<vmem>>
    %dma_start3A_26 = tpu.memref_squeeze %dma_start3A_25 : memref<1x128xi32, #tpu.memory_space<vmem>> -> memref<128xi32, #tpu.memory_space<vmem>>
    %dma_start3A_27 = arith.constant 0 : i32
    %dma_start3A_28 = arith.constant 0 : i32
    %dma_start3A_29 = tpu.memref_slice %arg2[%dma_start3A_27, %dma_start3A_28] : memref<100000x304xf32, #tpu.memory_space<hbm>> -> memref<100000x304xf32, #tpu.memory_space<hbm>>
    %dma_start3A_30 = tpu.memref_slice %arg7[%dma_start3A_19] : memref<2x!tpu.dma_semaphore, #tpu.memory_space<semaphore_mem>> -> memref<1x!tpu.dma_semaphore, #tpu.memory_space<semaphore_mem>>
    %dma_start3A_31 = tpu.memref_squeeze %dma_start3A_30 : memref<1x!tpu.dma_semaphore, #tpu.memory_space<semaphore_mem>> -> memref<!tpu.dma_semaphore, #tpu.memory_space<semaphore_mem>>
    tpu.enqueue_indirect_dma source(%dma_start3A_29 : memref<100000x304xf32, #tpu.memory_space<hbm>>) target(%dma_start3A_23 : memref<128x304xf32, #tpu.memory_space<vmem>>) offsets(%dma_start3A_26 : memref<128xi32, #tpu.memory_space<vmem>>) semaphore(%dma_start3A_31 : memref<!tpu.dma_semaphore, #tpu.memory_space<semaphore_mem>>)
    %scan3A = arith.constant 0 : i32
    %scan3A_32 = arith.constant 24 : i32
    %scan3A_33 = arith.addi %scan3A, %scan3A_32 : i32
    %scan3A_34 = arith.constant 1 : i32
    scf.for %scan3A_153 = %scan3A to %scan3A_33 step %scan3A_34  : i32 {
      %mul3A_154 = arith.constant 2 : i32
      %mul3A_155 = arith.muli %scan3A_153, %mul3A_154 : i32
      %add3A_156 = arith.constant 0 : i32
      %add3A_157 = arith.addi %add3A_156, %mul3A_155 : i32
      %add3A_158 = arith.constant 0 : i32
      %add3A_159 = arith.addi %add3A_157, %add3A_158 : i32
      %dma_wait3A_160 = arith.constant 0 : i32
      %dma_wait3A_161 = arith.constant 0 : i32
      %dma_wait3A_162 = arith.constant 0 : i32
      %dma_wait3A_163 = arith.constant 0 : i32
      %dma_wait3A_164 = tpu.memref_slice %arg6[%dma_wait3A_160, %dma_wait3A_162, %dma_wait3A_163] : memref<2x128x304xf32, #tpu.memory_space<vmem>> -> memref<1x128x304xf32, #tpu.memory_space<vmem>>
      %dma_wait3A_165 = tpu.memref_squeeze %dma_wait3A_164 : memref<1x128x304xf32, #tpu.memory_space<vmem>> -> memref<128x304xf32, #tpu.memory_space<vmem>>
      %dma_wait3A_166 = arith.constant 0 : i32
      %dma_wait3A_167 = tpu.memref_slice %arg5[%add3A_159, %dma_wait3A_166] : memref<50x128xi32, #tpu.memory_space<vmem>> -> memref<1x128xi32, #tpu.memory_space<vmem>>
      %dma_wait3A_168 = tpu.memref_squeeze %dma_wait3A_167 : memref<1x128xi32, #tpu.memory_space<vmem>> -> memref<128xi32, #tpu.memory_space<vmem>>
      %dma_wait3A_169 = arith.constant 0 : i32
      %dma_wait3A_170 = arith.constant 0 : i32
      %dma_wait3A_171 = tpu.memref_slice %arg2[%dma_wait3A_169, %dma_wait3A_170] : memref<100000x304xf32, #tpu.memory_space<hbm>> -> memref<100000x304xf32, #tpu.memory_space<hbm>>
      %dma_wait3A_172 = tpu.memref_slice %arg7[%dma_wait3A_161] : memref<2x!tpu.dma_semaphore, #tpu.memory_space<semaphore_mem>> -> memref<1x!tpu.dma_semaphore, #tpu.memory_space<semaphore_mem>>
      %dma_wait3A_173 = tpu.memref_squeeze %dma_wait3A_172 : memref<1x!tpu.dma_semaphore, #tpu.memory_space<semaphore_mem>> -> memref<!tpu.dma_semaphore, #tpu.memory_space<semaphore_mem>>
      tpu.wait_indirect_dma semaphore(%dma_wait3A_173 : memref<!tpu.dma_semaphore, #tpu.memory_space<semaphore_mem>>) src(%dma_wait3A_171 : memref<100000x304xf32, #tpu.memory_space<hbm>>) dst(%dma_wait3A_165 : memref<128x304xf32, #tpu.memory_space<vmem>>)
      %add3A_174 = arith.addi %mul3A_2, %add3A_159 : i32
      %dma_start3A_175 = arith.constant 0 : i32
      %dma_start3A_176 = arith.constant 0 : i32
      %dma_start3A_177 = arith.constant 0 : i32
      %dma_start3A_178 = arith.constant 0 : i32
      %dma_start3A_179 = tpu.memref_slice %arg6[%dma_start3A_175, %dma_start3A_177, %dma_start3A_178] : memref<2x128x304xf32, #tpu.memory_space<vmem>> -> memref<1x128x304xf32, #tpu.memory_space<vmem>>
      %dma_start3A_180 = tpu.memref_squeeze %dma_start3A_179 : memref<1x128x304xf32, #tpu.memory_space<vmem>> -> memref<128x304xf32, #tpu.memory_space<vmem>>
      %dma_start3A_181 = arith.constant 0 : i32
      %dma_start3A_182 = arith.constant 0 : i32
      %dma_start3A_183 = tpu.memref_slice %arg4[%add3A_174, %dma_start3A_181, %dma_start3A_182] : memref<1600x128x304xf32, #tpu.memory_space<hbm>> -> memref<1x128x304xf32, #tpu.memory_space<hbm>>
      %dma_start3A_184 = tpu.memref_squeeze %dma_start3A_183 : memref<1x128x304xf32, #tpu.memory_space<hbm>> -> memref<128x304xf32, #tpu.memory_space<hbm>>
      %dma_start3A_185 = tpu.memref_slice %arg8[%dma_start3A_176] : memref<2x!tpu.dma_semaphore, #tpu.memory_space<semaphore_mem>> -> memref<1x!tpu.dma_semaphore, #tpu.memory_space<semaphore_mem>>
      %dma_start3A_186 = tpu.memref_squeeze %dma_start3A_185 : memref<1x!tpu.dma_semaphore, #tpu.memory_space<semaphore_mem>> -> memref<!tpu.dma_semaphore, #tpu.memory_space<semaphore_mem>>
      %dma_start3A_187 = arith.constant 0 : i32
      %dma_start3A_188 = arith.constant 0 : i32
      %dma_start3A_189 = tpu.memref_slice %arg4[%add3A_174, %dma_start3A_187, %dma_start3A_188] : memref<1600x128x304xf32, #tpu.memory_space<hbm>> -> memref<1x128x304xf32, #tpu.memory_space<hbm>>
      %dma_start3A_190 = tpu.memref_squeeze %dma_start3A_189 : memref<1x128x304xf32, #tpu.memory_space<hbm>> -> memref<128x304xf32, #tpu.memory_space<hbm>>
      %dma_start3A_191 = arith.constant 0 : i32
      %dma_start3A_192 = arith.constant 0 : i32
      %dma_start3A_193 = tpu.memref_slice %arg6[%dma_start3A_175, %dma_start3A_191, %dma_start3A_192] : memref<2x128x304xf32, #tpu.memory_space<vmem>> -> memref<1x128x304xf32, #tpu.memory_space<vmem>>
      %dma_start3A_194 = tpu.memref_squeeze %dma_start3A_193 : memref<1x128x304xf32, #tpu.memory_space<vmem>> -> memref<128x304xf32, #tpu.memory_space<vmem>>
      tpu.enqueue_dma source(%dma_start3A_194 : memref<128x304xf32, #tpu.memory_space<vmem>>) target(%dma_start3A_190 : memref<128x304xf32, #tpu.memory_space<hbm>>) target_semaphore(%dma_start3A_186 : memref<!tpu.dma_semaphore, #tpu.memory_space<semaphore_mem>>)
      %add3A_195 = arith.addi %mul3A_2, %add3A_159 : i32
      %dma_wait3A_196 = arith.constant 0 : i32
      %dma_wait3A_197 = arith.constant 0 : i32
      %dma_wait3A_198 = arith.constant 0 : i32
      %dma_wait3A_199 = arith.constant 0 : i32
      %dma_wait3A_200 = tpu.memref_slice %arg6[%dma_wait3A_196, %dma_wait3A_198, %dma_wait3A_199] : memref<2x128x304xf32, #tpu.memory_space<vmem>> -> memref<1x128x304xf32, #tpu.memory_space<vmem>>
      %dma_wait3A_201 = tpu.memref_squeeze %dma_wait3A_200 : memref<1x128x304xf32, #tpu.memory_space<vmem>> -> memref<128x304xf32, #tpu.memory_space<vmem>>
      %dma_wait3A_202 = arith.constant 0 : i32
      %dma_wait3A_203 = arith.constant 0 : i32
      %dma_wait3A_204 = tpu.memref_slice %arg4[%add3A_195, %dma_wait3A_202, %dma_wait3A_203] : memref<1600x128x304xf32, #tpu.memory_space<hbm>> -> memref<1x128x304xf32, #tpu.memory_space<hbm>>
      %dma_wait3A_205 = tpu.memref_squeeze %dma_wait3A_204 : memref<1x128x304xf32, #tpu.memory_space<hbm>> -> memref<128x304xf32, #tpu.memory_space<hbm>>
      %dma_wait3A_206 = tpu.memref_slice %arg8[%dma_wait3A_197] : memref<2x!tpu.dma_semaphore, #tpu.memory_space<semaphore_mem>> -> memref<1x!tpu.dma_semaphore, #tpu.memory_space<semaphore_mem>>
      %dma_wait3A_207 = tpu.memref_squeeze %dma_wait3A_206 : memref<1x!tpu.dma_semaphore, #tpu.memory_space<semaphore_mem>> -> memref<!tpu.dma_semaphore, #tpu.memory_space<semaphore_mem>>
      %dma_wait3A_208 = arith.constant 0 : i32
      %dma_wait3A_209 = arith.constant 0 : i32
      %dma_wait3A_210 = tpu.memref_slice %arg4[%add3A_195, %dma_wait3A_208, %dma_wait3A_209] : memref<1600x128x304xf32, #tpu.memory_space<hbm>> -> memref<1x128x304xf32, #tpu.memory_space<hbm>>
      %dma_wait3A_211 = tpu.memref_squeeze %dma_wait3A_210 : memref<1x128x304xf32, #tpu.memory_space<hbm>> -> memref<128x304xf32, #tpu.memory_space<hbm>>
      %dma_wait3A_212 = arith.constant 0 : i32
      %dma_wait3A_213 = arith.constant 0 : i32
      %dma_wait3A_214 = tpu.memref_slice %arg6[%dma_wait3A_196, %dma_wait3A_212, %dma_wait3A_213] : memref<2x128x304xf32, #tpu.memory_space<vmem>> -> memref<1x128x304xf32, #tpu.memory_space<vmem>>
      %dma_wait3A_215 = tpu.memref_squeeze %dma_wait3A_214 : memref<1x128x304xf32, #tpu.memory_space<vmem>> -> memref<128x304xf32, #tpu.memory_space<vmem>>
      tpu.wait_dma2 semaphore(%dma_wait3A_207 : memref<!tpu.dma_semaphore, #tpu.memory_space<semaphore_mem>>) src(%dma_wait3A_215 : memref<128x304xf32, #tpu.memory_space<vmem>>) dst(%dma_wait3A_211 : memref<128x304xf32, #tpu.memory_space<hbm>>)
      %add3A_216 = arith.constant 2 : i32
      %add3A_217 = arith.addi %add3A_159, %add3A_216 : i32
      %dma_start3A_218 = arith.constant 0 : i32
      %dma_start3A_219 = arith.constant 0 : i32
      %dma_start3A_220 = arith.constant 0 : i32
      %dma_start3A_221 = arith.constant 0 : i32
      %dma_start3A_222 = tpu.memref_slice %arg6[%dma_start3A_218, %dma_start3A_220, %dma_start3A_221] : memref<2x128x304xf32, #tpu.memory_space<vmem>> -> memref<1x128x304xf32, #tpu.memory_space<vmem>>
      %dma_start3A_223 = tpu.memref_squeeze %dma_start3A_222 : memref<1x128x304xf32, #tpu.memory_space<vmem>> -> memref<128x304xf32, #tpu.memory_space<vmem>>
      %dma_start3A_224 = arith.constant 0 : i32
      %dma_start3A_225 = tpu.memref_slice %arg5[%add3A_217, %dma_start3A_224] : memref<50x128xi32, #tpu.memory_space<vmem>> -> memref<1x128xi32, #tpu.memory_space<vmem>>
      %dma_start3A_226 = tpu.memref_squeeze %dma_start3A_225 : memref<1x128xi32, #tpu.memory_space<vmem>> -> memref<128xi32, #tpu.memory_space<vmem>>
      %dma_start3A_227 = arith.constant 0 : i32
      %dma_start3A_228 = arith.constant 0 : i32
      %dma_start3A_229 = tpu.memref_slice %arg2[%dma_start3A_227, %dma_start3A_228] : memref<100000x304xf32, #tpu.memory_space<hbm>> -> memref<100000x304xf32, #tpu.memory_space<hbm>>
      %dma_start3A_230 = tpu.memref_slice %arg7[%dma_start3A_219] : memref<2x!tpu.dma_semaphore, #tpu.memory_space<semaphore_mem>> -> memref<1x!tpu.dma_semaphore, #tpu.memory_space<semaphore_mem>>
      %dma_start3A_231 = tpu.memref_squeeze %dma_start3A_230 : memref<1x!tpu.dma_semaphore, #tpu.memory_space<semaphore_mem>> -> memref<!tpu.dma_semaphore, #tpu.memory_space<semaphore_mem>>
      tpu.enqueue_indirect_dma source(%dma_start3A_229 : memref<100000x304xf32, #tpu.memory_space<hbm>>) target(%dma_start3A_223 : memref<128x304xf32, #tpu.memory_space<vmem>>) offsets(%dma_start3A_226 : memref<128xi32, #tpu.memory_space<vmem>>) semaphore(%dma_start3A_231 : memref<!tpu.dma_semaphore, #tpu.memory_space<semaphore_mem>>)
      %add3A_232 = arith.constant 1 : i32
      %add3A_233 = arith.addi %add3A_157, %add3A_232 : i32
      %dma_wait3A_234 = arith.constant 1 : i32
      %dma_wait3A_235 = arith.constant 1 : i32
      %dma_wait3A_236 = arith.constant 0 : i32
      %dma_wait3A_237 = arith.constant 0 : i32
      %dma_wait3A_238 = tpu.memref_slice %arg6[%dma_wait3A_234, %dma_wait3A_236, %dma_wait3A_237] : memref<2x128x304xf32, #tpu.memory_space<vmem>> -> memref<1x128x304xf32, #tpu.memory_space<vmem>>
      %dma_wait3A_239 = tpu.memref_squeeze %dma_wait3A_238 : memref<1x128x304xf32, #tpu.memory_space<vmem>> -> memref<128x304xf32, #tpu.memory_space<vmem>>
      %dma_wait3A_240 = arith.constant 0 : i32
      %dma_wait3A_241 = tpu.memref_slice %arg5[%add3A_233, %dma_wait3A_240] : memref<50x128xi32, #tpu.memory_space<vmem>> -> memref<1x128xi32, #tpu.memory_space<vmem>>
      %dma_wait3A_242 = tpu.memref_squeeze %dma_wait3A_241 : memref<1x128xi32, #tpu.memory_space<vmem>> -> memref<128xi32, #tpu.memory_space<vmem>>
      %dma_wait3A_243 = arith.constant 0 : i32
      %dma_wait3A_244 = arith.constant 0 : i32
      %dma_wait3A_245 = tpu.memref_slice %arg2[%dma_wait3A_243, %dma_wait3A_244] : memref<100000x304xf32, #tpu.memory_space<hbm>> -> memref<100000x304xf32, #tpu.memory_space<hbm>>
      %dma_wait3A_246 = tpu.memref_slice %arg7[%dma_wait3A_235] : memref<2x!tpu.dma_semaphore, #tpu.memory_space<semaphore_mem>> -> memref<1x!tpu.dma_semaphore, #tpu.memory_space<semaphore_mem>>
      %dma_wait3A_247 = tpu.memref_squeeze %dma_wait3A_246 : memref<1x!tpu.dma_semaphore, #tpu.memory_space<semaphore_mem>> -> memref<!tpu.dma_semaphore, #tpu.memory_space<semaphore_mem>>
      tpu.wait_indirect_dma semaphore(%dma_wait3A_247 : memref<!tpu.dma_semaphore, #tpu.memory_space<semaphore_mem>>) src(%dma_wait3A_245 : memref<100000x304xf32, #tpu.memory_space<hbm>>) dst(%dma_wait3A_239 : memref<128x304xf32, #tpu.memory_space<vmem>>)
      %add3A_248 = arith.addi %mul3A_2, %add3A_233 : i32
      %dma_start3A_249 = arith.constant 1 : i32
      %dma_start3A_250 = arith.constant 1 : i32
      %dma_start3A_251 = arith.constant 0 : i32
      %dma_start3A_252 = arith.constant 0 : i32
      %dma_start3A_253 = tpu.memref_slice %arg6[%dma_start3A_249, %dma_start3A_251, %dma_start3A_252] : memref<2x128x304xf32, #tpu.memory_space<vmem>> -> memref<1x128x304xf32, #tpu.memory_space<vmem>>
      %dma_start3A_254 = tpu.memref_squeeze %dma_start3A_253 : memref<1x128x304xf32, #tpu.memory_space<vmem>> -> memref<128x304xf32, #tpu.memory_space<vmem>>
      %dma_start3A_255 = arith.constant 0 : i32
      %dma_start3A_256 = arith.constant 0 : i32
      %dma_start3A_257 = tpu.memref_slice %arg4[%add3A_248, %dma_start3A_255, %dma_start3A_256] : memref<1600x128x304xf32, #tpu.memory_space<hbm>> -> memref<1x128x304xf32, #tpu.memory_space<hbm>>
      %dma_start3A_258 = tpu.memref_squeeze %dma_start3A_257 : memref<1x128x304xf32, #tpu.memory_space<hbm>> -> memref<128x304xf32, #tpu.memory_space<hbm>>
      %dma_start3A_259 = tpu.memref_slice %arg8[%dma_start3A_250] : memref<2x!tpu.dma_semaphore, #tpu.memory_space<semaphore_mem>> -> memref<1x!tpu.dma_semaphore, #tpu.memory_space<semaphore_mem>>
      %dma_start3A_260 = tpu.memref_squeeze %dma_start3A_259 : memref<1x!tpu.dma_semaphore, #tpu.memory_space<semaphore_mem>> -> memref<!tpu.dma_semaphore, #tpu.memory_space<semaphore_mem>>
      %dma_start3A_261 = arith.constant 0 : i32
      %dma_start3A_262 = arith.constant 0 : i32
      %dma_start3A_263 = tpu.memref_slice %arg4[%add3A_248, %dma_start3A_261, %dma_start3A_262] : memref<1600x128x304xf32, #tpu.memory_space<hbm>> -> memref<1x128x304xf32, #tpu.memory_space<hbm>>
      %dma_start3A_264 = tpu.memref_squeeze %dma_start3A_263 : memref<1x128x304xf32, #tpu.memory_space<hbm>> -> memref<128x304xf32, #tpu.memory_space<hbm>>
      %dma_start3A_265 = arith.constant 0 : i32
      %dma_start3A_266 = arith.constant 0 : i32
      %dma_start3A_267 = tpu.memref_slice %arg6[%dma_start3A_249, %dma_start3A_265, %dma_start3A_266] : memref<2x128x304xf32, #tpu.memory_space<vmem>> -> memref<1x128x304xf32, #tpu.memory_space<vmem>>
      %dma_start3A_268 = tpu.memref_squeeze %dma_start3A_267 : memref<1x128x304xf32, #tpu.memory_space<vmem>> -> memref<128x304xf32, #tpu.memory_space<vmem>>
      tpu.enqueue_dma source(%dma_start3A_268 : memref<128x304xf32, #tpu.memory_space<vmem>>) target(%dma_start3A_264 : memref<128x304xf32, #tpu.memory_space<hbm>>) target_semaphore(%dma_start3A_260 : memref<!tpu.dma_semaphore, #tpu.memory_space<semaphore_mem>>)
      %add3A_269 = arith.addi %mul3A_2, %add3A_233 : i32
      %dma_wait3A_270 = arith.constant 1 : i32
      %dma_wait3A_271 = arith.constant 1 : i32
      %dma_wait3A_272 = arith.constant 0 : i32
      %dma_wait3A_273 = arith.constant 0 : i32
      %dma_wait3A_274 = tpu.memref_slice %arg6[%dma_wait3A_270, %dma_wait3A_272, %dma_wait3A_273] : memref<2x128x304xf32, #tpu.memory_space<vmem>> -> memref<1x128x304xf32, #tpu.memory_space<vmem>>
      %dma_wait3A_275 = tpu.memref_squeeze %dma_wait3A_274 : memref<1x128x304xf32, #tpu.memory_space<vmem>> -> memref<128x304xf32, #tpu.memory_space<vmem>>
      %dma_wait3A_276 = arith.constant 0 : i32
      %dma_wait3A_277 = arith.constant 0 : i32
      %dma_wait3A_278 = tpu.memref_slice %arg4[%add3A_269, %dma_wait3A_276, %dma_wait3A_277] : memref<1600x128x304xf32, #tpu.memory_space<hbm>> -> memref<1x128x304xf32, #tpu.memory_space<hbm>>
      %dma_wait3A_279 = tpu.memref_squeeze %dma_wait3A_278 : memref<1x128x304xf32, #tpu.memory_space<hbm>> -> memref<128x304xf32, #tpu.memory_space<hbm>>
      %dma_wait3A_280 = tpu.memref_slice %arg8[%dma_wait3A_271] : memref<2x!tpu.dma_semaphore, #tpu.memory_space<semaphore_mem>> -> memref<1x!tpu.dma_semaphore, #tpu.memory_space<semaphore_mem>>
      %dma_wait3A_281 = tpu.memref_squeeze %dma_wait3A_280 : memref<1x!tpu.dma_semaphore, #tpu.memory_space<semaphore_mem>> -> memref<!tpu.dma_semaphore, #tpu.memory_space<semaphore_mem>>
      %dma_wait3A_282 = arith.constant 0 : i32
      %dma_wait3A_283 = arith.constant 0 : i32
      %dma_wait3A_284 = tpu.memref_slice %arg4[%add3A_269, %dma_wait3A_282, %dma_wait3A_283] : memref<1600x128x304xf32, #tpu.memory_space<hbm>> -> memref<1x128x304xf32, #tpu.memory_space<hbm>>
      %dma_wait3A_285 = tpu.memref_squeeze %dma_wait3A_284 : memref<1x128x304xf32, #tpu.memory_space<hbm>> -> memref<128x304xf32, #tpu.memory_space<hbm>>
      %dma_wait3A_286 = arith.constant 0 : i32
      %dma_wait3A_287 = arith.constant 0 : i32
      %dma_wait3A_288 = tpu.memref_slice %arg6[%dma_wait3A_270, %dma_wait3A_286, %dma_wait3A_287] : memref<2x128x304xf32, #tpu.memory_space<vmem>> -> memref<1x128x304xf32, #tpu.memory_space<vmem>>
      %dma_wait3A_289 = tpu.memref_squeeze %dma_wait3A_288 : memref<1x128x304xf32, #tpu.memory_space<vmem>> -> memref<128x304xf32, #tpu.memory_space<vmem>>
      tpu.wait_dma2 semaphore(%dma_wait3A_281 : memref<!tpu.dma_semaphore, #tpu.memory_space<semaphore_mem>>) src(%dma_wait3A_289 : memref<128x304xf32, #tpu.memory_space<vmem>>) dst(%dma_wait3A_285 : memref<128x304xf32, #tpu.memory_space<hbm>>)
      %add3A_290 = arith.constant 2 : i32
      %add3A_291 = arith.addi %add3A_233, %add3A_290 : i32
      %dma_start3A_292 = arith.constant 1 : i32
      %dma_start3A_293 = arith.constant 1 : i32
      %dma_start3A_294 = arith.constant 0 : i32
      %dma_start3A_295 = arith.constant 0 : i32
      %dma_start3A_296 = tpu.memref_slice %arg6[%dma_start3A_292, %dma_start3A_294, %dma_start3A_295] : memref<2x128x304xf32, #tpu.memory_space<vmem>> -> memref<1x128x304xf32, #tpu.memory_space<vmem>>
      %dma_start3A_297 = tpu.memref_squeeze %dma_start3A_296 : memref<1x128x304xf32, #tpu.memory_space<vmem>> -> memref<128x304xf32, #tpu.memory_space<vmem>>
      %dma_start3A_298 = arith.constant 0 : i32
      %dma_start3A_299 = tpu.memref_slice %arg5[%add3A_291, %dma_start3A_298] : memref<50x128xi32, #tpu.memory_space<vmem>> -> memref<1x128xi32, #tpu.memory_space<vmem>>
      %dma_start3A_300 = tpu.memref_squeeze %dma_start3A_299 : memref<1x128xi32, #tpu.memory_space<vmem>> -> memref<128xi32, #tpu.memory_space<vmem>>
      %dma_start3A_301 = arith.constant 0 : i32
      %dma_start3A_302 = arith.constant 0 : i32
      %dma_start3A_303 = tpu.memref_slice %arg2[%dma_start3A_301, %dma_start3A_302] : memref<100000x304xf32, #tpu.memory_space<hbm>> -> memref<100000x304xf32, #tpu.memory_space<hbm>>
      %dma_start3A_304 = tpu.memref_slice %arg7[%dma_start3A_293] : memref<2x!tpu.dma_semaphore, #tpu.memory_space<semaphore_mem>> -> memref<1x!tpu.dma_semaphore, #tpu.memory_space<semaphore_mem>>
      %dma_start3A_305 = tpu.memref_squeeze %dma_start3A_304 : memref<1x!tpu.dma_semaphore, #tpu.memory_space<semaphore_mem>> -> memref<!tpu.dma_semaphore, #tpu.memory_space<semaphore_mem>>
      tpu.enqueue_indirect_dma source(%dma_start3A_303 : memref<100000x304xf32, #tpu.memory_space<hbm>>) target(%dma_start3A_297 : memref<128x304xf32, #tpu.memory_space<vmem>>) offsets(%dma_start3A_300 : memref<128xi32, #tpu.memory_space<vmem>>) semaphore(%dma_start3A_305 : memref<!tpu.dma_semaphore, #tpu.memory_space<semaphore_mem>>)
    }
    %scan3A_35 = arith.constant 24 : i32
    %dma_wait3A = arith.constant 48 : i32
    %dma_wait3A_36 = arith.constant 0 : i32
    %dma_wait3A_37 = arith.constant 0 : i32
    %dma_wait3A_38 = arith.constant 0 : i32
    %dma_wait3A_39 = arith.constant 0 : i32
    %dma_wait3A_40 = tpu.memref_slice %arg6[%dma_wait3A_36, %dma_wait3A_38, %dma_wait3A_39] : memref<2x128x304xf32, #tpu.memory_space<vmem>> -> memref<1x128x304xf32, #tpu.memory_space<vmem>>
    %dma_wait3A_41 = tpu.memref_squeeze %dma_wait3A_40 : memref<1x128x304xf32, #tpu.memory_space<vmem>> -> memref<128x304xf32, #tpu.memory_space<vmem>>
    %dma_wait3A_42 = arith.constant 0 : i32
    %dma_wait3A_43 = tpu.memref_slice %arg5[%dma_wait3A, %dma_wait3A_42] : memref<50x128xi32, #tpu.memory_space<vmem>> -> memref<1x128xi32, #tpu.memory_space<vmem>>
    %dma_wait3A_44 = tpu.memref_squeeze %dma_wait3A_43 : memref<1x128xi32, #tpu.memory_space<vmem>> -> memref<128xi32, #tpu.memory_space<vmem>>
    %dma_wait3A_45 = arith.constant 0 : i32
    %dma_wait3A_46 = arith.constant 0 : i32
    %dma_wait3A_47 = tpu.memref_slice %arg2[%dma_wait3A_45, %dma_wait3A_46] : memref<100000x304xf32, #tpu.memory_space<hbm>> -> memref<100000x304xf32, #tpu.memory_space<hbm>>
    %dma_wait3A_48 = tpu.memref_slice %arg7[%dma_wait3A_37] : memref<2x!tpu.dma_semaphore, #tpu.memory_space<semaphore_mem>> -> memref<1x!tpu.dma_semaphore, #tpu.memory_space<semaphore_mem>>
    %dma_wait3A_49 = tpu.memref_squeeze %dma_wait3A_48 : memref<1x!tpu.dma_semaphore, #tpu.memory_space<semaphore_mem>> -> memref<!tpu.dma_semaphore, #tpu.memory_space<semaphore_mem>>
    tpu.wait_indirect_dma semaphore(%dma_wait3A_49 : memref<!tpu.dma_semaphore, #tpu.memory_space<semaphore_mem>>) src(%dma_wait3A_47 : memref<100000x304xf32, #tpu.memory_space<hbm>>) dst(%dma_wait3A_41 : memref<128x304xf32, #tpu.memory_space<vmem>>)
    %add3A_50 = arith.constant 48 : i32
    %add3A_51 = arith.addi %mul3A_2, %add3A_50 : i32
    %dma_start3A_52 = arith.constant 0 : i32
    %dma_start3A_53 = arith.constant 0 : i32
    %dma_start3A_54 = arith.constant 0 : i32
    %dma_start3A_55 = arith.constant 0 : i32
    %dma_start3A_56 = tpu.memref_slice %arg6[%dma_start3A_52, %dma_start3A_54, %dma_start3A_55] : memref<2x128x304xf32, #tpu.memory_space<vmem>> -> memref<1x128x304xf32, #tpu.memory_space<vmem>>
    %dma_start3A_57 = tpu.memref_squeeze %dma_start3A_56 : memref<1x128x304xf32, #tpu.memory_space<vmem>> -> memref<128x304xf32, #tpu.memory_space<vmem>>
    %dma_start3A_58 = arith.constant 0 : i32
    %dma_start3A_59 = arith.constant 0 : i32
    %dma_start3A_60 = tpu.memref_slice %arg4[%add3A_51, %dma_start3A_58, %dma_start3A_59] : memref<1600x128x304xf32, #tpu.memory_space<hbm>> -> memref<1x128x304xf32, #tpu.memory_space<hbm>>
    %dma_start3A_61 = tpu.memref_squeeze %dma_start3A_60 : memref<1x128x304xf32, #tpu.memory_space<hbm>> -> memref<128x304xf32, #tpu.memory_space<hbm>>
    %dma_start3A_62 = tpu.memref_slice %arg8[%dma_start3A_53] : memref<2x!tpu.dma_semaphore, #tpu.memory_space<semaphore_mem>> -> memref<1x!tpu.dma_semaphore, #tpu.memory_space<semaphore_mem>>
    %dma_start3A_63 = tpu.memref_squeeze %dma_start3A_62 : memref<1x!tpu.dma_semaphore, #tpu.memory_space<semaphore_mem>> -> memref<!tpu.dma_semaphore, #tpu.memory_space<semaphore_mem>>
    %dma_start3A_64 = arith.constant 0 : i32
    %dma_start3A_65 = arith.constant 0 : i32
    %dma_start3A_66 = tpu.memref_slice %arg4[%add3A_51, %dma_start3A_64, %dma_start3A_65] : memref<1600x128x304xf32, #tpu.memory_space<hbm>> -> memref<1x128x304xf32, #tpu.memory_space<hbm>>
    %dma_start3A_67 = tpu.memref_squeeze %dma_start3A_66 : memref<1x128x304xf32, #tpu.memory_space<hbm>> -> memref<128x304xf32, #tpu.memory_space<hbm>>
    %dma_start3A_68 = arith.constant 0 : i32
    %dma_start3A_69 = arith.constant 0 : i32
    %dma_start3A_70 = tpu.memref_slice %arg6[%dma_start3A_52, %dma_start3A_68, %dma_start3A_69] : memref<2x128x304xf32, #tpu.memory_space<vmem>> -> memref<1x128x304xf32, #tpu.memory_space<vmem>>
    %dma_start3A_71 = tpu.memref_squeeze %dma_start3A_70 : memref<1x128x304xf32, #tpu.memory_space<vmem>> -> memref<128x304xf32, #tpu.memory_space<vmem>>
    tpu.enqueue_dma source(%dma_start3A_71 : memref<128x304xf32, #tpu.memory_space<vmem>>) target(%dma_start3A_67 : memref<128x304xf32, #tpu.memory_space<hbm>>) target_semaphore(%dma_start3A_63 : memref<!tpu.dma_semaphore, #tpu.memory_space<semaphore_mem>>)
    %add3A_72 = arith.constant 48 : i32
    %add3A_73 = arith.addi %mul3A_2, %add3A_72 : i32
    %dma_wait3A_74 = arith.constant 0 : i32
    %dma_wait3A_75 = arith.constant 0 : i32
    %dma_wait3A_76 = arith.constant 0 : i32
    %dma_wait3A_77 = arith.constant 0 : i32
    %dma_wait3A_78 = tpu.memref_slice %arg6[%dma_wait3A_74, %dma_wait3A_76, %dma_wait3A_77] : memref<2x128x304xf32, #tpu.memory_space<vmem>> -> memref<1x128x304xf32, #tpu.memory_space<vmem>>
    %dma_wait3A_79 = tpu.memref_squeeze %dma_wait3A_78 : memref<1x128x304xf32, #tpu.memory_space<vmem>> -> memref<128x304xf32, #tpu.memory_space<vmem>>
    %dma_wait3A_80 = arith.constant 0 : i32
    %dma_wait3A_81 = arith.constant 0 : i32
    %dma_wait3A_82 = tpu.memref_slice %arg4[%add3A_73, %dma_wait3A_80, %dma_wait3A_81] : memref<1600x128x304xf32, #tpu.memory_space<hbm>> -> memref<1x128x304xf32, #tpu.memory_space<hbm>>
    %dma_wait3A_83 = tpu.memref_squeeze %dma_wait3A_82 : memref<1x128x304xf32, #tpu.memory_space<hbm>> -> memref<128x304xf32, #tpu.memory_space<hbm>>
    %dma_wait3A_84 = tpu.memref_slice %arg8[%dma_wait3A_75] : memref<2x!tpu.dma_semaphore, #tpu.memory_space<semaphore_mem>> -> memref<1x!tpu.dma_semaphore, #tpu.memory_space<semaphore_mem>>
    %dma_wait3A_85 = tpu.memref_squeeze %dma_wait3A_84 : memref<1x!tpu.dma_semaphore, #tpu.memory_space<semaphore_mem>> -> memref<!tpu.dma_semaphore, #tpu.memory_space<semaphore_mem>>
    %dma_wait3A_86 = arith.constant 0 : i32
    %dma_wait3A_87 = arith.constant 0 : i32
    %dma_wait3A_88 = tpu.memref_slice %arg4[%add3A_73, %dma_wait3A_86, %dma_wait3A_87] : memref<1600x128x304xf32, #tpu.memory_space<hbm>> -> memref<1x128x304xf32, #tpu.memory_space<hbm>>
    %dma_wait3A_89 = tpu.memref_squeeze %dma_wait3A_88 : memref<1x128x304xf32, #tpu.memory_space<hbm>> -> memref<128x304xf32, #tpu.memory_space<hbm>>
    %dma_wait3A_90 = arith.constant 0 : i32
    %dma_wait3A_91 = arith.constant 0 : i32
    %dma_wait3A_92 = tpu.memref_slice %arg6[%dma_wait3A_74, %dma_wait3A_90, %dma_wait3A_91] : memref<2x128x304xf32, #tpu.memory_space<vmem>> -> memref<1x128x304xf32, #tpu.memory_space<vmem>>
    %dma_wait3A_93 = tpu.memref_squeeze %dma_wait3A_92 : memref<1x128x304xf32, #tpu.memory_space<vmem>> -> memref<128x304xf32, #tpu.memory_space<vmem>>
    tpu.wait_dma2 semaphore(%dma_wait3A_85 : memref<!tpu.dma_semaphore, #tpu.memory_space<semaphore_mem>>) src(%dma_wait3A_93 : memref<128x304xf32, #tpu.memory_space<vmem>>) dst(%dma_wait3A_89 : memref<128x304xf32, #tpu.memory_space<hbm>>)
    %dma_wait3A_94 = arith.constant 49 : i32
    %dma_wait3A_95 = arith.constant 1 : i32
    %dma_wait3A_96 = arith.constant 1 : i32
    %dma_wait3A_97 = arith.constant 0 : i32
    %dma_wait3A_98 = arith.constant 0 : i32
    %dma_wait3A_99 = tpu.memref_slice %arg6[%dma_wait3A_95, %dma_wait3A_97, %dma_wait3A_98] : memref<2x128x304xf32, #tpu.memory_space<vmem>> -> memref<1x128x304xf32, #tpu.memory_space<vmem>>
    %dma_wait3A_100 = tpu.memref_squeeze %dma_wait3A_99 : memref<1x128x304xf32, #tpu.memory_space<vmem>> -> memref<128x304xf32, #tpu.memory_space<vmem>>
    %dma_wait3A_101 = arith.constant 0 : i32
    %dma_wait3A_102 = tpu.memref_slice %arg5[%dma_wait3A_94, %dma_wait3A_101] : memref<50x128xi32, #tpu.memory_space<vmem>> -> memref<1x128xi32, #tpu.memory_space<vmem>>
    %dma_wait3A_103 = tpu.memref_squeeze %dma_wait3A_102 : memref<1x128xi32, #tpu.memory_space<vmem>> -> memref<128xi32, #tpu.memory_space<vmem>>
    %dma_wait3A_104 = arith.constant 0 : i32
    %dma_wait3A_105 = arith.constant 0 : i32
    %dma_wait3A_106 = tpu.memref_slice %arg2[%dma_wait3A_104, %dma_wait3A_105] : memref<100000x304xf32, #tpu.memory_space<hbm>> -> memref<100000x304xf32, #tpu.memory_space<hbm>>
    %dma_wait3A_107 = tpu.memref_slice %arg7[%dma_wait3A_96] : memref<2x!tpu.dma_semaphore, #tpu.memory_space<semaphore_mem>> -> memref<1x!tpu.dma_semaphore, #tpu.memory_space<semaphore_mem>>
    %dma_wait3A_108 = tpu.memref_squeeze %dma_wait3A_107 : memref<1x!tpu.dma_semaphore, #tpu.memory_space<semaphore_mem>> -> memref<!tpu.dma_semaphore, #tpu.memory_space<semaphore_mem>>
    tpu.wait_indirect_dma semaphore(%dma_wait3A_108 : memref<!tpu.dma_semaphore, #tpu.memory_space<semaphore_mem>>) src(%dma_wait3A_106 : memref<100000x304xf32, #tpu.memory_space<hbm>>) dst(%dma_wait3A_100 : memref<128x304xf32, #tpu.memory_space<vmem>>)
    %add3A_109 = arith.constant 49 : i32
    %add3A_110 = arith.addi %mul3A_2, %add3A_109 : i32
    %dma_start3A_111 = arith.constant 1 : i32
    %dma_start3A_112 = arith.constant 1 : i32
    %dma_start3A_113 = arith.constant 0 : i32
    %dma_start3A_114 = arith.constant 0 : i32
    %dma_start3A_115 = tpu.memref_slice %arg6[%dma_start3A_111, %dma_start3A_113, %dma_start3A_114] : memref<2x128x304xf32, #tpu.memory_space<vmem>> -> memref<1x128x304xf32, #tpu.memory_space<vmem>>
    %dma_start3A_116 = tpu.memref_squeeze %dma_start3A_115 : memref<1x128x304xf32, #tpu.memory_space<vmem>> -> memref<128x304xf32, #tpu.memory_space<vmem>>
    %dma_start3A_117 = arith.constant 0 : i32
    %dma_start3A_118 = arith.constant 0 : i32
    %dma_start3A_119 = tpu.memref_slice %arg4[%add3A_110, %dma_start3A_117, %dma_start3A_118] : memref<1600x128x304xf32, #tpu.memory_space<hbm>> -> memref<1x128x304xf32, #tpu.memory_space<hbm>>
    %dma_start3A_120 = tpu.memref_squeeze %dma_start3A_119 : memref<1x128x304xf32, #tpu.memory_space<hbm>> -> memref<128x304xf32, #tpu.memory_space<hbm>>
    %dma_start3A_121 = tpu.memref_slice %arg8[%dma_start3A_112] : memref<2x!tpu.dma_semaphore, #tpu.memory_space<semaphore_mem>> -> memref<1x!tpu.dma_semaphore, #tpu.memory_space<semaphore_mem>>
    %dma_start3A_122 = tpu.memref_squeeze %dma_start3A_121 : memref<1x!tpu.dma_semaphore, #tpu.memory_space<semaphore_mem>> -> memref<!tpu.dma_semaphore, #tpu.memory_space<semaphore_mem>>
    %dma_start3A_123 = arith.constant 0 : i32
    %dma_start3A_124 = arith.constant 0 : i32
    %dma_start3A_125 = tpu.memref_slice %arg4[%add3A_110, %dma_start3A_123, %dma_start3A_124] : memref<1600x128x304xf32, #tpu.memory_space<hbm>> -> memref<1x128x304xf32, #tpu.memory_space<hbm>>
    %dma_start3A_126 = tpu.memref_squeeze %dma_start3A_125 : memref<1x128x304xf32, #tpu.memory_space<hbm>> -> memref<128x304xf32, #tpu.memory_space<hbm>>
    %dma_start3A_127 = arith.constant 0 : i32
    %dma_start3A_128 = arith.constant 0 : i32
    %dma_start3A_129 = tpu.memref_slice %arg6[%dma_start3A_111, %dma_start3A_127, %dma_start3A_128] : memref<2x128x304xf32, #tpu.memory_space<vmem>> -> memref<1x128x304xf32, #tpu.memory_space<vmem>>
    %dma_start3A_130 = tpu.memref_squeeze %dma_start3A_129 : memref<1x128x304xf32, #tpu.memory_space<vmem>> -> memref<128x304xf32, #tpu.memory_space<vmem>>
    tpu.enqueue_dma source(%dma_start3A_130 : memref<128x304xf32, #tpu.memory_space<vmem>>) target(%dma_start3A_126 : memref<128x304xf32, #tpu.memory_space<hbm>>) target_semaphore(%dma_start3A_122 : memref<!tpu.dma_semaphore, #tpu.memory_space<semaphore_mem>>)
    %add3A_131 = arith.constant 49 : i32
    %add3A_132 = arith.addi %mul3A_2, %add3A_131 : i32
    %dma_wait3A_133 = arith.constant 1 : i32
    %dma_wait3A_134 = arith.constant 1 : i32
    %dma_wait3A_135 = arith.constant 0 : i32
    %dma_wait3A_136 = arith.constant 0 : i32
    %dma_wait3A_137 = tpu.memref_slice %arg6[%dma_wait3A_133, %dma_wait3A_135, %dma_wait3A_136] : memref<2x128x304xf32, #tpu.memory_space<vmem>> -> memref<1x128x304xf32, #tpu.memory_space<vmem>>
    %dma_wait3A_138 = tpu.memref_squeeze %dma_wait3A_137 : memref<1x128x304xf32, #tpu.memory_space<vmem>> -> memref<128x304xf32, #tpu.memory_space<vmem>>
    %dma_wait3A_139 = arith.constant 0 : i32
    %dma_wait3A_140 = arith.constant 0 : i32
    %dma_wait3A_141 = tpu.memref_slice %arg4[%add3A_132, %dma_wait3A_139, %dma_wait3A_140] : memref<1600x128x304xf32, #tpu.memory_space<hbm>> -> memref<1x128x304xf32, #tpu.memory_space<hbm>>
    %dma_wait3A_142 = tpu.memref_squeeze %dma_wait3A_141 : memref<1x128x304xf32, #tpu.memory_space<hbm>> -> memref<128x304xf32, #tpu.memory_space<hbm>>
    %dma_wait3A_143 = tpu.memref_slice %arg8[%dma_wait3A_134] : memref<2x!tpu.dma_semaphore, #tpu.memory_space<semaphore_mem>> -> memref<1x!tpu.dma_semaphore, #tpu.memory_space<semaphore_mem>>
    %dma_wait3A_144 = tpu.memref_squeeze %dma_wait3A_143 : memref<1x!tpu.dma_semaphore, #tpu.memory_space<semaphore_mem>> -> memref<!tpu.dma_semaphore, #tpu.memory_space<semaphore_mem>>
    %dma_wait3A_145 = arith.constant 0 : i32
    %dma_wait3A_146 = arith.constant 0 : i32
    %dma_wait3A_147 = tpu.memref_slice %arg4[%add3A_132, %dma_wait3A_145, %dma_wait3A_146] : memref<1600x128x304xf32, #tpu.memory_space<hbm>> -> memref<1x128x304xf32, #tpu.memory_space<hbm>>
    %dma_wait3A_148 = tpu.memref_squeeze %dma_wait3A_147 : memref<1x128x304xf32, #tpu.memory_space<hbm>> -> memref<128x304xf32, #tpu.memory_space<hbm>>
    %dma_wait3A_149 = arith.constant 0 : i32
    %dma_wait3A_150 = arith.constant 0 : i32
    %dma_wait3A_151 = tpu.memref_slice %arg6[%dma_wait3A_133, %dma_wait3A_149, %dma_wait3A_150] : memref<2x128x304xf32, #tpu.memory_space<vmem>> -> memref<1x128x304xf32, #tpu.memory_space<vmem>>
    %dma_wait3A_152 = tpu.memref_squeeze %dma_wait3A_151 : memref<1x128x304xf32, #tpu.memory_space<vmem>> -> memref<128x304xf32, #tpu.memory_space<vmem>>
    tpu.wait_dma2 semaphore(%dma_wait3A_144 : memref<!tpu.dma_semaphore, #tpu.memory_space<semaphore_mem>>) src(%dma_wait3A_152 : memref<128x304xf32, #tpu.memory_space<vmem>>) dst(%dma_wait3A_148 : memref<128x304xf32, #tpu.memory_space<hbm>>)
    return
  }
}

</mosaic_0001>

<sc_bundles>
// kernel: sc_embedding_gather.3.cloned.1.call-start
scs
__scs_entry_jumppad:
0x0: {  	(pc) =	sbr.rel $0x88, $3  }
0x1: {  	(tag) =	ssettag $0x0;
	lr =	simm.s32 $0x1  }
0x2: {  	[smem:$0x3F9F] =	sst lr;
	_ =	strace $0xD0000000  }
0x3: {  	_ = 	snop  }
0x4: {  	_ = 	snop  }
0x5: {  	_ = 	snop  }
0x6: {  	_ = 	snop  }
0x7: {  	_ = 	snop  }
__scs_overlays_trampoline_lowered:
0x8: {  	[smem:$0x3FAE] =	sst s0  }
0x9: {  	[smem:$0x3FAF] =	sst s1  }
0xa: {  	[smem:$0x3FB0] =	sst s2  }
0xb: {  	[smem:$0x3FB1] =	sst s3  }
0xc: {  	[smem:$0x3FB2] =	sst s4  }
0xd: {  	[smem:$0x3FB3] =	sst s5  }
0xe: {  	[smem:$0x3FB4] =	sst s6  }
0xf: {  	[smem:$0x3FB5] =	sst s7  }
0x10: {  	[smem:$0x3FB6] =	sst s8  }
0x11: {  	[smem:$0x3FB7] =	sst s9;
	s0 =	simm.s32 @!p0 $0x0  }
0x12: {  	s1 =	sld [smem:$0x3F9D];
	s0 =	simm.s32 @p0 $0x1  }
0x13: {  	[smem:$0x3FB8] =	sst s0;
	s0 =	simm.s32 @!p1 $0x0  }
0x14: {  	s2 =	sld [smem:$0x3F9C];
	s0 =	simm.s32 @p1 $0x1  }
0x15: {  	[smem:$0x3FB9] =	sst s0;
	s0 =	simm.s32 @!p2 $0x0  }
0x16: {  	s3 =	sld [smem:$0x3FDB];
	s0 =	simm.s32 @p2 $0x1  }
0x17: {  	s4 =	simm.s32 $0x1BF5;
	[smem:$0x3FBB] =	sst s0  }
0x18: {  	s0 =	sld [smem:$0x3F9E];
	_ =	swait.ge [sflag:s4], $0x0  }
0x19: {  	s7 =	sld [smem:$0x3F9F]  }
0x1a: {  	s8 =	sadd.s32 $0xFFFFE003, lr  }
0x1b: {  	s9 =	sadd.s32 $0xFFFFFEF7, lr;
	s5 =	simm.s32 $0xFFFFFFFF;
	p2 =	slt.u32 s8, $0xFFFFF086  }
0x1c: {  	p1 =	slt.u32 s9, $0xF7A;
	s5 =	simm.s32 @!p2 $0x0  }
0x1d: {  	s5 =	simm.s32 @p1 $0x1;
	p0 =	seq.s32 s7, s2  }
0x1e: {  	s7 =	smul.u32 @!p0 $0xF7A, s2;
	p2 =	seq.s32 @!p0 s5, $0x0  }
0x1f: {  	s9 =	smul.u32 $0xF7A, s1;
	s8 =	simm.s32 @!p0 $0x1BF5;
	p2 =	por !p2, p0  }
0x20: {  	[sflag:s8] =	ssyncset.s32 @!p0 $0xFFFFF086;
	s6 =	sadd.s32 @!p0 s3, s7;
	s7 =	simm.s32 @!p0 $0x108  }
0x21: {  	s3 =	sadd.s32 s3, s9;
	s6 =	sadd.s32 @!p0 $0x88, s6;
	s7 =	simm.s32 @p2 $0x1082  }
0x22: {  	[simem:s7], [sflag:s8] =	dma.local @!p0 [hbm:s6], $0xF7A  }
0x23: {  	s9 =	sor.u32 $0xD0000000, s2;
	s6 =	simm.s32 $0x108;
	_ =	swait.ge @!p0 [sflag:s8], $0x0  }
0x24: {  	s3 =	sadd.s32 $0x88, s3;
	s6 =	simm.s32 @!p1 $0x1082;
	[sflag:s4] =	ssyncset.s32 $0xFFFFF086  }
0x25: {  	[simem:s6], [sflag:s4] =	dma.local [hbm:s3], $0xF7A  }
0x26: {  	[smem:$0x3F9F] =	sst s1;
	(tag) =	ssettag s2;
	_ =	strace s9  }
0x27: {  	s1 =	sld [smem:$0x3FAF]  }
0x28: {  	s2 =	sld [smem:$0x3FB0]  }
0x29: {  	s4 =	sld [smem:$0x3FB2]  }
0x2a: {  	p0 =	seq.s32 s5, $0x0;
	s5 =	sld [smem:$0x3FB3]  }
0x2b: {  	s6 =	sld [smem:$0x3FB4]  }
0x2c: {  	s7 =	sld [smem:$0x3FB5]  }
0x2d: {  	s3 =	simm.s32 $0x108;
	s8 =	sld [smem:$0x3FB6]  }
0x2e: {  	s3 =	simm.s32 @!p0 $0x1082;
	s9 =	sld [smem:$0x3FB7]  }
0x2f: {  	lr =	sadd.s32 s0, s3;
	s0 =	sld [smem:$0x3FAE]  }
0x30: {  	s3 =	sld [smem:$0x3FB1]  }
0x31: {  	[smem:$0x3FBA] =	sst s10  }
0x32: {  	s10 =	sld [smem:$0x3FB8];
	_ =	sdelay $0x3  }
0x33: {  	p0 =	seq.s32 s10, $0x1;
	s10 =	sld [smem:$0x3FBA];
	_ =	sdelay $0x3  }
0x34: {  	[smem:$0x3FBA] =	sst s10  }
0x35: {  	s10 =	sld [smem:$0x3FB9];
	_ =	sdelay $0x3  }
0x36: {  	p1 =	seq.s32 s10, $0x1;
	s10 =	sld [smem:$0x3FBA];
	_ =	sdelay $0x3  }
0x37: {  	[smem:$0x3FBA] =	sst s10  }
0x38: {  	s10 =	sld [smem:$0x3FBB]  }
0x39: {  	_ = 	snop;
	(pc) =	sbr.ind lr, $3  }
0x3a: {  	_ = 	snop  }
0x3b: {  	_ = 	snop  }
0x3c: {  	p2 =	seq.s32 s10, $0x1;
	s10 =	sld [smem:$0x3FBA]  }
0x3d: {  	_ =	shalt  }
0x3e: {  	_ =	shalt  }
0x3f: {  	_ =	shalt  }
0x40: {  	_ =	shalt  }
0x41: {  	_ =	shalt  }
0x42: {  	_ =	shalt  }
0x43: {  	_ =	shalt  }
0x44: {  	_ =	shalt  }
0x45: {  	_ =	shalt  }
0x46: {  	_ =	shalt  }
0x47: {  	_ =	shalt  }
0x48: {  	_ =	shalt  }
0x49: {  	_ =	shalt  }
0x4a: {  	_ =	shalt  }
0x4b: {  	_ =	shalt  }
0x4c: {  	_ =	shalt  }
0x4d: {  	_ =	shalt  }
0x4e: {  	_ =	shalt  }
0x4f: {  	_ =	shalt  }
0x50: {  	_ =	shalt  }
0x51: {  	_ =	shalt  }
0x52: {  	_ =	shalt  }
0x53: {  	_ =	shalt  }
0x54: {  	_ =	shalt  }
0x55: {  	_ =	shalt  }
0x56: {  	_ =	shalt  }
0x57: {  	_ =	shalt  }
0x58: {  	_ =	shalt  }
0x59: {  	_ =	shalt  }
0x5a: {  	_ =	shalt  }
0x5b: {  	_ =	shalt  }
0x5c: {  	_ =	shalt  }
0x5d: {  	_ =	shalt  }
0x5e: {  	_ =	shalt  }
0x5f: {  	_ =	shalt  }
0x60: {  	_ =	shalt  }
0x61: {  	_ =	shalt  }
0x62: {  	_ =	shalt  }
0x63: {  	_ =	shalt  }
0x64: {  	_ =	shalt  }
0x65: {  	_ =	shalt  }
0x66: {  	_ =	shalt  }
0x67: {  	_ =	shalt  }
0x68: {  	_ =	shalt  }
0x69: {  	_ =	shalt  }
0x6a: {  	_ =	shalt  }
0x6b: {  	_ =	shalt  }
0x6c: {  	_ =	shalt  }
0x6d: {  	_ =	shalt  }
0x6e: {  	_ =	shalt  }
0x6f: {  	_ =	shalt  }
0x70: {  	_ =	shalt  }
0x71: {  	_ =	shalt  }
0x72: {  	_ =	shalt  }
0x73: {  	_ =	shalt  }
0x74: {  	_ =	shalt  }
0x75: {  	_ =	shalt  }
0x76: {  	_ =	shalt  }
0x77: {  	_ =	shalt  }
0x78: {  	_ =	shalt  }
0x79: {  	_ =	shalt  }
0x7a: {  	_ =	shalt  }
0x7b: {  	_ =	shalt  }
0x7c: {  	_ =	shalt  }
0x7d: {  	_ =	shalt  }
0x7e: {  	_ =	shalt  }
0x7f: {  	_ =	shalt  }
0x80: {  	_ =	shalt  }
0x81: {  	_ =	shalt  }
0x82: {  	_ =	shalt  }
0x83: {  	_ =	shalt  }
0x84: {  	_ =	shalt  }
0x85: {  	_ =	shalt  }
0x86: {  	_ =	shalt  }
0x87: {  	_ =	shalt  }
.Lfunc_end0:
.L_simem_size_0:
called_computation.1_lowered:
.L_overlay_start_0:
0x88: {  	s2 =	sld [smem:$0x3FD9]  }
0x89: {  	s3 =	sld [smem:$0x3FFE];
	_ =	sdelay $0x1  }
0x8a: {  	s1 =	srdreg.scid  }
0x8b: {  	s0 =	sand.u32 $0x1, s1  }
0x8c: {  	s17 =	sshll.u32 s0, $0xA;
	s2 =	sadd.s32 s3, s2  }
0x8d: {  	s2 =	sadd.s32 s2, s17  }
0x8e: {  	[smem:$0x3FC6] =	sst s2  }
0x8f: {  	_ = 	snop  }
0x90: {  	s2 =	sld [smem:$0x3FD0];
	(tm) =	ssettm $0x1  }
0x91: {  	s18 =	sld [smem:$0x3FFB];
	_ =	sdelay $0x3  }
0x92: {  	_ =	strace s18  }
0x93: {  	s3 =	sld [smem:$0x3FFC];
	_ =	sdelay $0x3  }
0x94: {  	_ =	strace s3  }
0x95: {  	s3 =	sld [smem:$0x3FFD];
	_ =	sdelay $0x3  }
0x96: {  	_ =	strace s3  }
0x97: {  	_ =	strace $0x8FFFFFFF  }
0x98: {  	s19 =	sld [smem:$0x3FDB];
	_ =	sdelay $0x1  }
0x99: {  	s4 =	simm.s32 $_scs_section_size  }
0x9a: {  	s5 =	simm.s32 $_size__tile_overlayer_lowered;
	s6 =	simm.s32 $_tile_overlayer_lowered  }
0x9b: {  	s22 =	simm.s32 $0x1BFF;
	s21 =	sshll.u32 s6, $0x1;
	s3 =	sadd.s32 s4, s19  }
0x9c: {  	s7 =	simm.s32 $0x0;
	s20 =	sshll.u32 s5, $0x1;
	s5 =	sadd.s32 s21, s3  }
0x9d: {  	[timem:s7], [sflag:s22] =	dma.local [hbm:s5], s20  }
0x9e: {  	_ =	swait.ge [sflag:s22], s20  }
0x9f: {  	s4 =	ssub.s32 $0x0, s20;
	[sflag:s22] =	ssyncset.done $0x0  }
0xa0: {  	[sflag:s22] =	ssyncadd.s32 s4;
	_ =	sdelay $0x1  }
0xa1: {  	s23 =	simm.s32 $0x1B8B  }
0xa2: {  	_ =	swait.ge [sflag:s23], $0x1  }
0xa3: {  	[sflag:s23] =	ssyncset.done $0x0  }
0xa4: {  	s25 =	simm.s32 $0x1B8E;
	s24 =	sld [smem:$0x3FFE];
	[sflag:s23] =	ssyncadd.s32 $0xFFFFFFFF  }
0xa5: {  	s26 =	simm.s32 $execute0_lowered;
	[smem:$0x3FD2] =	sst s25  }
0xa6: {  	s5 =	sshll.u32 s26, $0x1;
	_ =	strace $0x80000046;
	[dreg:$0x1] =	wrdreg $0xFFFFFFFF  }
0xa7: {  	s28 =	simm.s32 $_size_execute0_lowered;
	s3 =	sadd.s32 s3, s5;
	[dreg:$0x0] =	wrdreg $0x0  }
0xa8: {  	s5 =	sshll.u32 s28, $0x1;
	[dreg:$0x2] =	wrdreg s3  }
0xa9: {  	[dreg:$0x3] =	wrdreg s5  }
0xaa: {  	[dreg:$0x4] =	wrdreg $0xC0  }
0xab: {  	_ =	task [dreg:s7], $0x5FFFF  }
0xac: {  	[dreg:$0x1] =	wrdreg $0xFFFFFFFF  }
0xad: {  	[dreg:$0x0] =	wrdreg $0x60  }
0xae: {  	[dreg:$0x2] =	wrdreg s24  }
0xaf: {  	[dreg:$0x3] =	wrdreg s2  }
0xb0: {  	[dreg:$0x4] =	wrdreg $0x9  }
0xb1: {  	_ =	task.clear_ibuf [dreg:s7], $0x5FFFF;
	_ =	strace $0x90000046  }
0xb2: {  	s29 =	simm.s32 $0x9;
	_ =	strace $0x80000048  }
0xb3: {  	_ =	swait.ge [sflag:s29], $0x1  }
0xb4: {  	[sflag:s29] =	ssyncadd.s32 $0xFFFFFFFF  }
0xb5: {  	_ =	strace $0x90000048  }
0xb6: {  	_ =	sfence  }
0xb7: {  	s30 =	sld [smem:$0x0];
	_ =	sdelay $0x2  }
0xb8: {  	s31 =	sshll.u32 s1, $0xD;
	s1 =	sshrl.u32 s1, $0x2  }
0xb9: {  	s3 =	sand.u32 $0x4000, s31;
	s1 =	sadd.s32 s1, s30  }
0xba: {  	s0 =	sor.u32 s3, s0;
	s1 =	sshll.u32 s1, $0x11  }
0xbb: {  	s0 =	sor.u32 s1, s0  }
0xbc: {  	s0 =	sadd.s32 $0x8F2B, s0  }
0xbd: {  	[sflag:s0] =	ssyncadd.remote.s32 $0x1  }
0xbe: {  	_ =	sfence.sel $0xFFFF  }
0xbf: {  	[dreg:$0x0] =	wrdreg $0xFFFFFFFF;
	(pc) =	sbr.abs _section_cstart, $3  }
0xc0: {  	[dreg:$0x1] =	wrdreg $0xFFFFFFFF  }
0xc1: {  	_ =	task.clear_ibuf [dreg:s7], $0x2FFFF;
	_ =	strace $0x9FFFFFFF  }
0xc2: {  	(tm) =	ssettm $0x7FFFFFFF  }
0xc3: {  	_ =	shalt  }
tec
execute0_lowered:
.L_overlay_start_1:
0x0: {  	(tag) =	ssettag $0x1  }
0x1: {  	s4 =	rddreg [dreg:$0x0];
	s1 =	srdreg.scid  }
0x2: {  	s0 =	stileid.u32;
	s6 =	rddreg [dreg:$0x1]  }
0x3: {  	s2 =	simm.s32 $0x0;
	s11 =	simm.s32 $0x1900;
	s12 =	simm.s32 $0xB100  }
0x4: {  	s13 =	simm.s32 $0x1;
	s14 =	simm.s32 $0x3;
	s15 =	simm.s32 $0x2  }
0x5: {  	s16 =	simm.s32 $0x4;
	s5 =	sand.u32 $0x1, s1;
	s3 =	sshll.u32 s0, $0x1  }
0x6: {  	s1 =	rddreg [dreg:$0x2];
	s10 =	smul.u32 $0x76C00, s0;
	s3 =	sor.u32 s5, s3  }
0x7: {  	s17 =	simm.s32 $0x0;
	[smem:$0x7FF] =	sst s2;
	s7 =	smul.u32 $0x320, s3  }
0x8: {  	_ =	strace $0x80000047;
	s30 =	ssub.s32 $0x2, s5;
	s8 =	smul.u32 $0x1DB000, s3  }
0x9: {  	s31 =	smul.u32 $0x3B600, s5;
	s3 =	sadd.s32 $0x6C00, s4;
	s9 =	sshrl.u32 s30, $0x1  }
0xa: {  	s10 =	sadd.s32 s10, s6;
	s4 =	sadd.s32 s7, s4;
	s8 =	sshrl.u32 s8, $0x3  }
0xb: {  	s7 =	ssub.s32 s30, s9;
	s9 =	simm.s32 $0x5;
	s8 =	sadd.s32 s6, s8  }
0xc: {  	s4 =	sadd.s32 $0x800, s4;
	s7 =	smax.u32 s7, $0x1;
	s5 =	sadd.s32 $0x39000, s8  }
0xd: {  	s6 =	sadd.s32 $0x3A300, s8;
	s8 =	sadd.s32 s31, s10;
	s10 =	simm.s32 $0x80  }
.LBB2_1:
0xe: {  	[tilespmem:s2], [sflag:$0x5] =	stream.linear.gather [hbm4b:s4+s2], $0x1900, $0x38;
	[tilespmem:$0x14900] =	vst v63  }
0xf: {  	_ =	swait.ge [sflag:s9], $0x1900  }
0x10: {  	[sflag:s9] =	ssyncset.done $0x0  }
0x11: {  	[sflag:s9] =	ssyncadd.s32 $0xFFFFE700  }
0x12: {  	[tilespmem:s11], [sflag:$0x1] =	stream.indirect.gather [hbm4b:s3+s10], $0x130, s2, s10, $0xb8;
	[tilespmem:$0x14900] =	vst v63  }
0x13: {  	_ = 	snop  }
0x14: {  	[tilespmem:s12], [sflag:$0x2] =	stream.indirect.gather [hbm4b:s3+s10], $0x130, s10, s10, $0xb8;
	[tilespmem:$0x14900] =	vst v63  }
0x15: {  	_ =	swait.ge [sflag:s13], $0x9800  }
0x16: {  	[sflag:s13] =	ssyncset.done $0x0  }
0x17: {  	s18 =	sadd.s32 $0x0, s8;
	[sflag:s13] =	ssyncadd.s32 $0xFFFF6800  }
0x18: {  	[hbm4b:s18+s2] =	stream.linear.scatter [tilespmem:s11], [sflag:$0x3], $0x9800, $0x38;
	[tilespmem:$0x14900] =	vst v63  }
0x19: {  	_ =	swait.ge [sflag:s14], $0x9800  }
0x1a: {  	[sflag:s14] =	ssyncset.done $0x0  }
0x1b: {  	s19 =	simm.s32 $0x100;
	[sflag:s14] =	ssyncadd.s32 $0xFFFF6800  }
0x1c: {  	[tilespmem:s11], [sflag:$0x1] =	stream.indirect.gather [hbm4b:s3+s10], $0x130, s19, s10, $0xb8;
	[tilespmem:$0x14900] =	vst v63  }
0x1d: {  	_ =	swait.ge [sflag:s15], $0x9800  }
0x1e: {  	[sflag:s15] =	ssyncset.done $0x0  }
0x1f: {  	s18 =	sadd.s32 $0x1300, s18;
	[sflag:s15] =	ssyncadd.s32 $0xFFFF6800  }
0x20: {  	[hbm4b:s18+s2] =	stream.linear.scatter [tilespmem:s12], [sflag:$0x4], $0x9800, $0x38;
	[tilespmem:$0x14900] =	vst v63  }
0x21: {  	_ =	swait.ge [sflag:s16], $0x9800  }
0x22: {  	s20 =	simm.s32 $0x280;
	[sflag:s16] =	ssyncset.done $0x0  }
0x23: {  	s19 =	simm.s32 $0x2600;
	s18 =	simm.s32 $0x180;
	[sflag:s16] =	ssyncadd.s32 $0xFFFF6800  }
.LBB2_2:
0x24: {  	[tilespmem:s12], [sflag:$0x2] =	stream.indirect.gather [hbm4b:s3+s10], $0x130, s18, s10, $0xb8;
	[tilespmem:$0x14900] =	vst v63  }
0x25: {  	s21 =	smov.u32 s19;
	s18 =	smov.u32 s20  }
0x26: {  	p0 =	sne.s32 s19, $0x36A00;
	s19 =	sadd.s32 $0x2600, s19;
	_ =	swait.ge [sflag:s13], $0x9800  }
0x27: {  	[sflag:s13] =	ssyncset.done $0x0  }
0x28: {  	s21 =	sadd.s32 s21, s8;
	[sflag:s13] =	ssyncadd.s32 $0xFFFF6800  }
0x29: {  	[hbm4b:s21+s2] =	stream.linear.scatter [tilespmem:s11], [sflag:$0x3], $0x9800, $0x38;
	[tilespmem:$0x14900] =	vst v63  }
0x2a: {  	_ =	swait.ge [sflag:s14], $0x9800  }
0x2b: {  	[sflag:s14] =	ssyncset.done $0x0  }
0x2c: {  	s22 =	sadd.s32 $0xFFFFFF80, s20;
	[sflag:s14] =	ssyncadd.s32 $0xFFFF6800  }
0x2d: {  	[tilespmem:s11], [sflag:$0x1] =	stream.indirect.gather [hbm4b:s3+s10], $0x130, s22, s10, $0xb8;
	[tilespmem:$0x14900] =	vst v63  }
0x2e: {  	_ =	swait.ge [sflag:s15], $0x9800  }
0x2f: {  	[sflag:s15] =	ssyncset.done $0x0  }
.Ltmp0:
0x30: {  	s21 =	sadd.s32 $0x1300, s21;
	[sflag:s15] =	ssyncadd.s32 $0xFFFF6800;
	(pc) =	sbr.rel @p0 .LBB2_2-.Ltmp0, $4  }
0x31: {  	[hbm4b:s21+s2] =	stream.linear.scatter [tilespmem:s12], [sflag:$0x4], $0x9800, $0x38;
	[tilespmem:$0x14900] =	vst v63  }
0x32: {  	_ =	swait.ge [sflag:s16], $0x9800  }
0x33: {  	[sflag:s16] =	ssyncset.done $0x0  }
0x34: {  	s20 =	sadd.s32 $0x100, s20;
	[sflag:s16] =	ssyncadd.s32 $0xFFFF6800  }
0x35: {  	[tilespmem:s12], [sflag:$0x2] =	stream.indirect.gather [hbm4b:s3+s10], $0x130, s18, s10, $0xb8;
	[tilespmem:$0x14900] =	vst v63  }
0x36: {  	_ =	swait.ge [sflag:s13], $0x9800  }
0x37: {  	[sflag:s13] =	ssyncset.done $0x0  }
0x38: {  	[sflag:s13] =	ssyncadd.s32 $0xFFFF6800  }
0x39: {  	[hbm4b:s5+s2] =	stream.linear.scatter [tilespmem:s11], [sflag:$0x3], $0x9800, $0x38;
	[tilespmem:$0x14900] =	vst v63  }
0x3a: {  	_ =	swait.ge [sflag:s14], $0x9800  }
0x3b: {  	[sflag:s14] =	ssyncset.done $0x0  }
0x3c: {  	[sflag:s14] =	ssyncadd.s32 $0xFFFF6800  }
0x3d: {  	s17 =	sadd.s32 $0x1, s17;
	_ =	swait.ge [sflag:s15], $0x9800  }
0x3e: {  	p0 =	sne.s32 s17, s7;
	[sflag:s15] =	ssyncset.done $0x0  }
.Ltmp1:
0x3f: {  	[sflag:s15] =	ssyncadd.s32 $0xFFFF6800;
	(pc) =	sbr.rel @p0 .LBB2_1-.Ltmp1, $4  }
0x40: {  	[hbm4b:s6+s2] =	stream.linear.scatter [tilespmem:s12], [sflag:$0x4], $0x9800, $0x38;
	[tilespmem:$0x14900] =	vst v63  }
0x41: {  	_ =	swait.ge [sflag:s16], $0x9800  }
0x42: {  	[sflag:s16] =	ssyncset.done $0x0  }
0x43: {  	[sflag:s16] =	ssyncadd.s32 $0xFFFF6800  }
0x44: {  	_ =	sfence.sel $0x180000  }
0x45: {  	[bflag:$0x0] =	sbarrier.arrive $0xFFFF  }
0x46: {  	p0 =	sne.s32 s0, $0x0;
	_ =	strace $0x90000047  }
0x47: {  	s0 =	sadd.s32 @!p0 $0x100000, s1;
	[bflag:$0x2] =	sbarrier.arrive $0xFFFF  }
0x48: {  	[sflag:s0] =	ssyncadd.tile.s32 @!p0 $0x1;
	_ =	shalt  }
.Lfunc_end2:
_tile_overlayer_lowered:
.L_overlay_start_2:
0x49: {  	(tag) =	ssettag $0x2  }
0x4a: {  	s0 =	rddreg [dreg:$0x0];
	s2 =	stileid.u32  }
0x4b: {  	s1 =	rddreg [dreg:$0x1];
	p0 =	sne.s32 s2, $0x0  }
0x4c: {  	s3 =	rddreg [dreg:$0x2];
	[bflag:$0x3] =	sbarrier.arrive $0xFFFF;
	s2 =	simm.s32 @!p0 $0x1C05  }
0x4d: {  	[timem:s3], [sflag:s2] =	dma.local @!p0 [hbm:s0], s1  }
0x4e: {  	s0 =	simm.s32 @!p0 $0x5  }
0x4f: {  	_ =	swait.ge @!p0 [sflag:s0], s1  }
0x50: {  	s1 =	ssub.s32 @!p0 $0x0, s1;
	[sflag:s0] =	ssyncset.done @!p0 $0x0  }
0x51: {  	[sflag:s0] =	ssyncadd.s32 @!p0 s1  }
0x52: {  	[bflag:$0x3] =	sbarrier.arrive $0xFFFF  }
0x53: {  	_ =	shalt  }

// kernel: sparse-core-data-format-call.cloned.1.call-start
scs
called_computation_lowered:
.L_overlay_start_0:
0x0: {  	s2 =	sld [smem:$0x3FD9]  }
0x1: {  	s3 =	sld [smem:$0x3FFE];
	_ =	sdelay $0x1  }
0x2: {  	s1 =	srdreg.scid  }
0x3: {  	s0 =	sand.u32 $0x1, s1  }
0x4: {  	s18 =	sshll.u32 s0, $0xA;
	s2 =	sadd.s32 s3, s2  }
0x5: {  	s2 =	sadd.s32 s2, s18  }
0x6: {  	[smem:$0x3FC6] =	sst s2  }
0x7: {  	_ = 	snop  }
0x8: {  	s2 =	sld [smem:$0x3FD0];
	(tm) =	ssettm $0x1  }
0x9: {  	s19 =	sld [smem:$0x3FFB];
	_ =	sdelay $0x3  }
0xa: {  	_ =	strace s19  }
0xb: {  	s3 =	sld [smem:$0x3FFC];
	_ =	sdelay $0x3  }
0xc: {  	_ =	strace s3  }
0xd: {  	s3 =	sld [smem:$0x3FFD];
	_ =	sdelay $0x3  }
0xe: {  	_ =	strace s3  }
0xf: {  	_ =	strace $0x8FFFFFFF  }
0x10: {  	s20 =	sld [smem:$0x3FDB];
	_ =	sdelay $0x1  }
0x11: {  	s4 =	simm.s32 $_scs_section_size  }
0x12: {  	s5 =	simm.s32 $_size__tile_overlayer_lowered;
	s6 =	simm.s32 $_tile_overlayer_lowered  }
0x13: {  	s23 =	simm.s32 $0x1BFF;
	s22 =	sshll.u32 s6, $0x1;
	s3 =	sadd.s32 s4, s20  }
0x14: {  	s7 =	simm.s32 $0x0;
	s21 =	sshll.u32 s5, $0x1;
	s5 =	sadd.s32 s22, s3  }
0x15: {  	[timem:s7], [sflag:s23] =	dma.local [hbm:s5], s21  }
0x16: {  	_ =	swait.ge [sflag:s23], s21  }
0x17: {  	s4 =	ssub.s32 $0x0, s21;
	[sflag:s23] =	ssyncset.done $0x0  }
0x18: {  	[sflag:s23] =	ssyncadd.s32 s4;
	_ =	sdelay $0x1  }
0x19: {  	s24 =	simm.s32 $0x1B8B  }
0x1a: {  	_ =	swait.ge [sflag:s24], $0x1  }
0x1b: {  	[sflag:s24] =	ssyncset.done $0x0  }
0x1c: {  	s26 =	simm.s32 $0x1B8E;
	s25 =	sld [smem:$0x3FFE];
	[sflag:s24] =	ssyncadd.s32 $0xFFFFFFFF  }
0x1d: {  	s27 =	simm.s32 $execute0_lowered;
	[smem:$0x3FD2] =	sst s26  }
0x1e: {  	s5 =	sshll.u32 s27, $0x1;
	_ =	strace $0x80000049;
	[dreg:$0x1] =	wrdreg $0xFFFFFFFF  }
0x1f: {  	s28 =	simm.s32 $_size_execute0_lowered;
	s3 =	sadd.s32 s3, s5;
	[dreg:$0x0] =	wrdreg $0x0  }
0x20: {  	s5 =	sshll.u32 s28, $0x1;
	[dreg:$0x2] =	wrdreg s3  }
0x21: {  	[dreg:$0x3] =	wrdreg s5  }
0x22: {  	[dreg:$0x4] =	wrdreg $0xC0  }
0x23: {  	_ =	task [dreg:s7], $0x5FFFF  }
0x24: {  	[dreg:$0x1] =	wrdreg $0xFFFFFFFF  }
0x25: {  	[dreg:$0x0] =	wrdreg $0x60  }
0x26: {  	[dreg:$0x2] =	wrdreg s25  }
0x27: {  	[dreg:$0x3] =	wrdreg s2  }
0x28: {  	[dreg:$0x4] =	wrdreg $0x9  }
0x29: {  	_ =	task.clear_ibuf [dreg:s7], $0x5FFFF;
	_ =	strace $0x90000049  }
0x2a: {  	s29 =	simm.s32 $0x9;
	_ =	strace $0x8000004B  }
0x2b: {  	_ =	swait.ge [sflag:s29], $0x1  }
0x2c: {  	[sflag:s29] =	ssyncadd.s32 $0xFFFFFFFF  }
0x2d: {  	_ =	strace $0x9000004B  }
0x2e: {  	_ =	sfence  }
0x2f: {  	s30 =	sld [smem:$0x0];
	_ =	sdelay $0x2  }
0x30: {  	s31 =	sshll.u32 s1, $0xD;
	s1 =	sshrl.u32 s1, $0x2  }
0x31: {  	s3 =	sand.u32 $0x4000, s31;
	s1 =	sadd.s32 s1, s30  }
0x32: {  	s0 =	sor.u32 s3, s0;
	s1 =	sshll.u32 s1, $0x11  }
0x33: {  	s0 =	sor.u32 s1, s0  }
0x34: {  	s0 =	sadd.s32 $0x8F2B, s0  }
0x35: {  	[sflag:s0] =	ssyncadd.remote.s32 $0x1  }
0x36: {  	_ =	sfence.sel $0xFFFF  }
0x37: {  	[dreg:$0x0] =	wrdreg $0xFFFFFFFF;
	(pc) =	sbr.abs _section_cstart, $3  }
0x38: {  	[dreg:$0x1] =	wrdreg $0xFFFFFFFF  }
0x39: {  	_ =	task.clear_ibuf [dreg:s7], $0x2FFFF;
	_ =	strace $0x9FFFFFFF  }
0x3a: {  	(tm) =	ssettm $0x7FFFFFFF  }
0x3b: {  	_ =	shalt  }
tec
execute0_lowered:
.L_overlay_start_1:
0x0: {  	(tag) =	ssettag $0x1  }
0x1: {  	s1 =	rddreg [dreg:$0x0]  }
0x2: {  	s2 =	rddreg [dreg:$0x1]  }
0x3: {  	s0 =	rddreg [dreg:$0x2];
	_ =	strace $0x8000004A;
	s4 =	srdreg.scid  }
0x4: {  	s6 =	simm.s32 $0x2;
	s14 =	simm.s32 $0x0;
	p0 =	por $0x0, $0x0  }
0x5: {  	s13 =	simm.s32 $0x0;
	s15 =	simm.s32 $0x0;
	s8 =	simm.s32 $0x0  }
.Ltmp0:
0x6: {  	s9 =	simm.s32 $0x0;
	s10 =	simm.s32 $0x0;
	(pc) =	sbr.rel .LBB1_1-.Ltmp0, $4  }
0x7: {  	s11 =	simm.s32 $0x0;
	s3 =	sadd.s32 $0x800, s1;
	s5 =	sshll.u32 s4, $0x4  }
0x8: {  	s1 =	stileid.u32;
	s4 =	simm.s32 $0x1;
	s5 =	sand.u32 $0x10, s5  }
0x9: {  	s7 =	simm.s32 $0x0;
	[sflag:s4] =	ssyncpa.u1 $0x0;
	s5 =	sor.u32 s1, s5  }
0xa: {  	[sflag:s6] =	ssyncpa.u1 $0x0;
	s6 =	simm.s32 $0x0;
	s12 =	smov.u32 s5  }
.LBB1_5:
0xb: {  	p1 =	slt.u32 s7, $0x2  }
0xc: {  	p2 =	sgt.s32 @!p1 s15, $0x63F  }
0xd: {  	s16 =	smov.u32 s15;
	s17 =	sshra.s32 @!p1 s15, $0x1F;
	p2 =	por !p2, p1  }
0xe: {  	s15 =	sand.u32 @!p1 s17, s15;
	s16 =	simm.s32 @p2 $0x63F  }
0xf: {  	p3 =	sgt.s32 @!p1 s14, $0xB0;
	s15 =	ssub.s32 @!p1 s16, s15  }
0x10: {  	p3 =	por !p3, p1;
	s17 =	smov.u32 s14;
	s16 =	sadd.s32 @!p1 $0xFFFFF9C1, s15  }
0x11: {  	s15 =	ssub.s32 @!p1 $0x640, s15;
	p2 =	sgt.s32 @!p1 s16, $0x0;
	s16 =	sshra.s32 @!p1 s14, $0x1F  }
0x12: {  	s14 =	sand.u32 @!p1 s16, s14;
	s16 =	ssub.s32 @!p1 $0x0, s13;
	p2 =	por !p2, p1  }
0x13: {  	s17 =	simm.s32 @p3 $0xB0;
	s13 =	smin.u32 @!p1 s13, s16;
	s15 =	simm.s32 @!p2 $0x0  }
0x14: {  	s14 =	ssub.s32 @!p1 s17, s14;
	s17 =	smov.u32 s11;
	p2 =	sgt.s32 @!p1 s13, $0x7F  }
0x15: {  	s16 =	sadd.s32 @!p1 $0xFFFFFF50, s14;
	s13 =	ssub.s32 @!p1 $0x80, s13;
	p2 =	por !p2, p1  }
0x16: {  	s14 =	ssub.s32 @!p1 $0x130, s14;
	p3 =	sgt.s32 @!p1 s16, $0x7F;
	s13 =	simm.s32 @!p2 $0x0  }
0x17: {  	s16 =	sadd.s32 $0x80, s10;
	p2 =	por !p3, p1;
	s13 =	smul.u32 @!p1 s15, s13  }
0x18: {  	s14 =	simm.s32 @!p2 $0x0;
	p2 =	sgt.s32 s16, $0x12F;
	s15 =	sadd.s32 $0x80, s11  }
0x19: {  	s18 =	smov.u32 s12;
	s17 =	smov.u32 @p2 s15  }
0x1a: {  	s13 =	smul.u32 @!p1 s14, s13;
	p3 =	sgt.s32 s17, $0x7F;
	s14 =	sadd.s32 $0x20, s12  }
0x1b: {  	s7 =	sadd.s32 $0x1, s7;
	p0 =	por !p0, !p0;
	s18 =	smov.u32 @p3 s14  }
0x1c: {  	s19 =	simm.s32 @!p1 $0x2;
	s16 =	simm.s32 @p2 $0x0;
	p2 =	sgt.s32 s18, $0x63F  }
0x1d: {  	s15 =	smov.u32 s9;
	s18 =	smov.u32 @p2 s5;
	p2 =	sne.s32 s7, $0x98  }
.Ltmp1:
0x1e: {  	s9 =	smov.u32 s12;
	s17 =	simm.s32 @p3 $0x0;
	(pc) =	sbr.rel @!p2 .LBB1_6-.Ltmp1, $4  }
0x1f: {  	s14 =	smov.u32 s6;
	s6 =	smov.u32 s10;
	s13 =	sand.u32 @!p1 $0x3FFFFFFF, s13  }
0x20: {  	s10 =	smov.u32 s16;
	_ =	swait.ge @!p1 [sflag:s19], s13;
	s20 =	ssub.s32 @!p1 $0x0, s13  }
0x21: {  	s13 =	smov.u32 s8;
	s8 =	smov.u32 s11;
	[sflag:s19] =	ssyncset.done @!p1 $0x0  }
0x22: {  	s11 =	smov.u32 s17;
	s12 =	smov.u32 s18;
	[sflag:s19] =	ssyncadd.s32 @!p1 s20  }
.LBB1_1:
0x23: {  	p1 =	sgt.u32 s7, $0x95  }
0x24: {  	s16 =	sshrl.u32 @!p1 s11, $0x3  }
0x25: {  	s17 =	sshll.u32 @!p1 s10, $0x3;
	s16 =	smul.u32 @!p1 $0xC00, s16  }
0x26: {  	s18 =	sshll.u32 @!p1 s11, $0x7;
	s17 =	sand.u32 @!p1 $0xFFFFFC00, s17  }
0x27: {  	s16 =	sadd.s32 @!p1 s16, s17;
	s17 =	sand.u32 @!p1 $0x380, s18  }
0x28: {  	s18 =	sand.u32 @!p1 $0x7F, s10;
	s16 =	sor.u32 @!p1 s17, s16  }
0x29: {  	s17 =	sor.u32 @!p1 s18, s16  }
0x2a: {  	s18 =	smulhi.u32 @!p1 $0xAAAAAAAB, s17  }
0x2b: {  	s16 =	smulhi.u32 @!p1 $0xAAAAAAAB, s16  }
0x2c: {  	s18 =	sshrl.u32 @!p1 s18, $0x8  }
0x2d: {  	s16 =	sshrl.u32 @!p1 s16, $0x8;
	s18 =	smul.u32 @!p1 $0x180, s18  }
0x2e: {  	s19 =	sxor.u32 @!p1 $0xFFFFFFFF, s7;
	s20 =	smul.u32 @!p1 $0x1800, s12;
	s16 =	sand.u32 @!p1 $0x7F, s16  }
0x2f: {  	s19 =	sshll.u32 @!p1 s19, $0xE;
	s16 =	smul.u32 @!p1 $0x30, s16;
	s17 =	ssub.s32 @!p1 s17, s18  }
0x30: {  	s18 =	sand.u32 @!p1 $0x4000, s19;
	s19 =	sadd.s32 @!p1 s3, s20;
	s20 =	sand.u32 @!p1 $0x7, s17  }
0x31: {  	s17 =	sshrl.u32 @!p1 s17, $0x3;
	s16 =	sadd.s32 @!p1 s16, s19;
	s19 =	sshll.u32 @!p1 s20, $0x12  }
0x32: {  	s16 =	sadd.s32 @!p1 s17, s16;
	s17 =	sor.u32 @!p1 $0x400, s19;
	s19 =	simm.s32 @!p1 $0xC00  }
0x33: {  	[tilespmem:s18], [sflag:$0x1] =	stream.strided.gather @!p1 [hbm4b:s16+s17], $0x4000, s19, s17, $0x38;
	[tilespmem:$0x10100] =	vst v63  }
0x34: {  	p1 =	seq.s32 s7, $0x0  }
0x35: {  	p2 =	seq.s32 @!p1 s7, $0x97  }
0x36: {  	p1 =	por p1, p2  }
.Ltmp2:
0x37: {  	_ = 	snop;
	(pc) =	sbr.rel @p1 .LBB1_5-.Ltmp2, $1  }
0x38: {  	_ =	sdelay $0x3  }
0x39: {  	s16 =	simm.s32 $0x1  }
0x3a: {  	_ =	swait.ge [sflag:s4], $0x4000;
	s16 =	simm.s32 @!p0 $0x0  }
0x3b: {  	[sflag:s4] =	ssyncset.done $0x0;
	s17 =	sshll.u32 s16, $0xE  }
0x3c: {  	[sflag:s4] =	ssyncadd.s32 $0xFFFFC000;
	s17 =	sor.u32 $0x40, s17  }
0x3d: {  	s16 =	smul.u32 $0x10200, s16;
	v0 =	vld [tilespmem:s17+$0x30]  }
0x3e: {  	v1 =	vld [tilespmem:s17+$0xFFFFFFD0]  }
0x3f: {  	s16 =	sshrl.u32 s16, $0x2;
	v5 =	vld [tilespmem:s17+$0xFFFFFFE0]  }
0x40: {  	v6 =	vld [tilespmem:s17+$0xFFFFFFF0];
	s19 =	sor.u32 $0x8000, s16  }
0x41: {  	s31 =	sand.u32 $0x1, s7;
	v4 =	vld [tilespmem:s17+$0x0];
	s18 =	sadd.s32 $0x0, s19  }
0x42: {  	v3 =	vld [tilespmem:s17+$0x10];
	s16 =	smul.u32 $0x10200, s31;
	[tilespmem:s18+$0x3870 ss:$0x81] =	vst.msk $0xffff, v0  }
0x43: {  	v2 =	vld [tilespmem:s17+$0x20];
	[tilespmem:s18+$0x810 ss:$0x81] =	vst.msk $0xffff, v1  }
0x44: {  	s16 =	sshrl.u32 s16, $0x2;
	v0 =	vld [tilespmem:s17+$0xFFFFFFC0];
	[tilespmem:s18+$0x1020 ss:$0x81] =	vst.msk $0xffff, v5;
	s17 =	sadd.s32 $0x80, s17  }
0x45: {  	s20 =	simm.s32 $0x4;
	s21 =	simm.s32 $0x8;
	s16 =	sor.u32 $0x8000, s16;
	[tilespmem:s18+$0x1830 ss:$0x81] =	vst.msk $0xffff, v6;
	v1 =	vld [tilespmem:s17+$0x30]  }
.LBB1_3:
0x46: {  	p1 =	sne.s32 s21, $0x1FC;
	v5 =	vld [tilespmem:s17+$0xFFFFFFD0];
	[tilespmem:s18+$0x2040 ss:$0x81] =	vst.msk $0xffff, v4  }
0x47: {  	v6 =	vld [tilespmem:s17+$0xFFFFFFE0];
	[tilespmem:s18+$0x2850 ss:$0x81] =	vst.msk $0xffff, v3  }
0x48: {  	s22 =	sshra.s32 s20, $0x2;
	s20 =	smov.u32 s21;
	v7 =	vld [tilespmem:s17+$0xFFFFFFF0];
	[tilespmem:s18+$0x3060 ss:$0x81] =	vst.msk $0xffff, v2  }
.Ltmp3:
0x49: {  	v4 =	vld [tilespmem:s17+$0x0];
	[tilespmem:s18+$0x0 ss:$0x81] =	vst.msk $0xffff, v0;
	s18 =	sadd.s32 s22, s19;
	(pc) =	sbr.rel @p1 .LBB1_3-.Ltmp3, $4  }
0x4a: {  	v3 =	vld [tilespmem:s17+$0x10];
	[tilespmem:s18+$0x3870 ss:$0x81] =	vst.msk $0xffff, v1  }
0x4b: {  	[tilespmem:s18+$0x810 ss:$0x81] =	vst.msk $0xffff, v5;
	v2 =	vld [tilespmem:s17+$0x20]  }
0x4c: {  	v0 =	vld [tilespmem:s17+$0xFFFFFFC0];
	[tilespmem:s18+$0x1020 ss:$0x81] =	vst.msk $0xffff, v6;
	s17 =	sadd.s32 $0x80, s17  }
0x4d: {  	s21 =	sadd.s32 $0x4, s21;
	v1 =	vld [tilespmem:s17+$0x30];
	[tilespmem:s18+$0x1830 ss:$0x81] =	vst.msk $0xffff, v7  }
0x4e: {  	s21 =	sshll.u32 s6, $0x7;
	s22 =	sshll.u32 s8, $0x3;
	p1 =	sgt.s32 s9, $0x63F  }
0x4f: {  	s24 =	sshra.s32 s9, $0x1F;
	s20 =	sshra.s32 s20, $0x2;
	s30 =	ssub.s32 $0x0, s8  }
0x50: {  	s31 =	sshra.s32 s6, $0x1F;
	s23 =	sand.u32 $0xFFFFFC00, s21;
	s22 =	sand.u32 $0xFFFFFC00, s22  }
0x51: {  	[tilespmem:s18+$0x2040 ss:$0x81] =	vst.msk $0xffff, v4;
	s21 =	sand.u32 $0x380, s21;
	s22 =	sadd.s32 s22, s23;
	s23 =	smov.u32 s9  }
0x52: {  	s24 =	sand.u32 s24, s9;
	s19 =	sadd.s32 s20, s19;
	[tilespmem:s18+$0x2850 ss:$0x81] =	vst.msk $0xffff, v3;
	s23 =	simm.s32 @!p1 $0x63F  }
0x53: {  	v5 =	vld [tilespmem:s17+$0xFFFFFFD0];
	[tilespmem:s18+$0x3060 ss:$0x81] =	vst.msk $0xffff, v2;
	s21 =	sor.u32 s21, s22;
	s22 =	smov.u32 s6;
	s27 =	ssub.s32 s23, s24  }
0x54: {  	v58 =	vld [tilespmem:s17+$0xFFFFFFE0];
	[tilespmem:s18+$0x0 ss:$0x81] =	vst.msk $0xffff, v0;
	s18 =	sand.u32 s31, s6;
	s20 =	sshrl.u32 s21, $0x7;
	s28 =	sadd.s32 $0xFFFFF9C1, s27  }
0x55: {  	v59 =	vld [tilespmem:s17+$0xFFFFFFF0];
	s29 =	smulhi.u32 $0xD79436, s20;
	s21 =	ssub.s32 $0x640, s27;
	p1 =	sgt.s32 s28, $0x0  }
0x56: {  	v60 =	vld [tilespmem:s17+$0x0];
	s28 =	smul.u32 $0x1300, s9;
	s21 =	simm.s32 @p1 $0x0;
	p1 =	sgt.s32 s6, $0xB0  }
0x57: {  	v61 =	vld [tilespmem:s17+$0x10];
	s24 =	smin.u32 s8, s30;
	[tilespmem:s19+$0x3870 ss:$0x81] =	vst.msk $0xffff, v1;
	s25 =	smul.u32 $0x130, s29;
	s22 =	simm.s32 @!p1 $0xB0  }
0x58: {  	v62 =	vld [tilespmem:s17+$0x20];
	[tilespmem:s19+$0x810 ss:$0x81] =	vst.msk $0xffff, v5;
	p1 =	sgt.s32 s24, $0x7F;
	s24 =	ssub.s32 $0x80, s24;
	s18 =	ssub.s32 s22, s18  }
0x59: {  	v63 =	vld [tilespmem:s17+$0xFFFFFFC0];
	[tilespmem:s19+$0x1020 ss:$0x81] =	vst.msk $0xffff, v58;
	s29 =	sshrl.u32 s8, $0x3;
	s24 =	simm.s32 @p1 $0x0;
	s27 =	sadd.s32 $0xFFFFFF50, s18  }
0x5a: {  	[tilespmem:s19+$0x1830 ss:$0x81] =	vst.msk $0xffff, v59;
	s26 =	smul.u32 s21, s24;
	s18 =	ssub.s32 $0x130, s18;
	p1 =	sgt.s32 s27, $0x7F  }
.Ltmp4:
0x5b: {  	[tilespmem:s19+$0x2040 ss:$0x81] =	vst.msk $0xffff, v60;
	s30 =	sand.u32 $0xF, s29;
	s18 =	simm.s32 @p1 $0x0;
	(pc) =	sbr.rel .LBB1_5-.Ltmp4, $4  }
0x5c: {  	[tilespmem:s19+$0x2850 ss:$0x81] =	vst.msk $0xffff, v61;
	s20 =	ssub.s32 s20, s25;
	s21 =	sadd.s32 s2, s28;
	s17 =	smul.u32 s18, s26  }
0x5d: {  	[tilespmem:s19+$0x3060 ss:$0x81] =	vst.msk $0xffff, v62;
	s20 =	sshll.u32 s20, $0x4;
	s18 =	sadd.s32 s30, s21  }
0x5e: {  	s31 =	sand.u32 $0x7, s8;
	[tilespmem:s19+$0x0 ss:$0x81] =	vst.msk $0xffff, v63;
	s18 =	sadd.s32 s20, s18;
	s17 =	sand.u32 $0x3FFFFFFF, s17  }
0x5f: {  	[hbm4b:s18+s31] =	stream.linear.scatter [tilespmem:s16], [sflag:$0x2], s17, $0x20;
	[tilespmem:$0x10100] =	vst v63  }
.LBB1_6:
0x60: {  	_ =	sfence.sel $0x180000  }
0x61: {  	s2 =	simm.s32 $0x1;
	[bflag:$0x0] =	sbarrier.arrive $0xFFFF  }
0x62: {  	s31 =	simm.s32 $0x2;
	[sflag:s2] =	ssyncpa.u1 $0x1  }
0x63: {  	[sflag:s31] =	ssyncpa.u1 $0x1  }
0x64: {  	p0 =	sne.s32 s1, $0x0;
	_ =	strace $0x9000004A  }
0x65: {  	s0 =	sadd.s32 @!p0 $0x100000, s0;
	[bflag:$0x2] =	sbarrier.arrive $0xFFFF  }
0x66: {  	[sflag:s0] =	ssyncadd.tile.s32 @!p0 $0x1;
	_ =	shalt  }
.Lfunc_end1:
_tile_overlayer_lowered:
.L_overlay_start_2:
0x67: {  	(tag) =	ssettag $0x2  }
0x68: {  	s0 =	rddreg [dreg:$0x0];
	s2 =	stileid.u32  }
0x69: {  	s1 =	rddreg [dreg:$0x1];
	p0 =	sne.s32 s2, $0x0  }
0x6a: {  	s3 =	rddreg [dreg:$0x2];
	[bflag:$0x3] =	sbarrier.arrive $0xFFFF;
	s2 =	simm.s32 @!p0 $0x1C01  }
0x6b: {  	[timem:s3], [sflag:s2] =	dma.local @!p0 [hbm:s0], s1  }
0x6c: {  	s0 =	simm.s32 @!p0 $0x1  }
0x6d: {  	_ =	swait.ge @!p0 [sflag:s0], s1  }
0x6e: {  	s1 =	ssub.s32 @!p0 $0x0, s1;
	[sflag:s0] =	ssyncset.done @!p0 $0x0  }
0x6f: {  	[sflag:s0] =	ssyncadd.s32 @!p0 s1  }
0x70: {  	[bflag:$0x3] =	sbarrier.arrive $0xFFFF  }
0x71: {  	_ =	shalt  }

</sc_bundles>
